<compile_context>
chip_gen: v7x
topology: tpu7x:2x2x1
jax: 0.10.2.dev20260603
libtpu: 0.0.44.dev20260713+nightly
codegen_flags: <defaults>
</compile_context>

<pallas_src>
import functools

import jax
import jax.numpy as jnp
from jax import lax
from jax.experimental import pallas as pl
from jax.experimental.pallas import tpu as pltpu
from jax.experimental.pallas import tpu_sc as plsc

WORD_CNT = 100000
DIM = 128
BATCH = 4096
HIST = 200
N = BATCH * HIST

_info = plsc.get_sparse_core_info()
NC, NS = _info.num_cores, _info.num_subcores
NW = NC * NS
PER_W = N // NW
CHUNK = 128
NBUF = 4
NCHUNK = PER_W // CHUNK
NTURN = NCHUNK // NBUF


@functools.partial(
    pl.kernel,
    mesh=plsc.VectorSubcoreMesh(core_axis_name="c", subcore_axis_name="s"),
    out_type=jax.ShapeDtypeStruct((N, DIM), jnp.float32),
    scratch_types=[
        pltpu.VMEM((NCHUNK, CHUNK), jnp.int32),
        pltpu.VMEM((NBUF, CHUNK, DIM), jnp.float32),
    ]
    + [pltpu.SemaphoreType.DMA] * (2 * NBUF),
)
def _gather_kernel(idx_hbm, table_hbm, out_hbm, idx_v, rows_v, *sems):
    gsem = sems[:NBUF]
    osem = sems[NBUF:]
    wid = lax.axis_index("s") * NC + lax.axis_index("c")
    base = wid * PER_W

    pltpu.sync_copy(idx_hbm.at[wid], idx_v)

    for b in range(NBUF):
        pltpu.async_copy(table_hbm.at[idx_v.at[b]], rows_v.at[b], gsem[b])

    def turn_body(p, carry):
        for b in range(NBUF):
            g = p * NBUF + b
            pltpu.make_async_copy(
                table_hbm.at[idx_v.at[g]], rows_v.at[b], gsem[b]
            ).wait()
            pltpu.async_copy(
                rows_v.at[b], out_hbm.at[pl.ds(base + g * CHUNK, CHUNK)], osem[b]
            )
            pltpu.make_async_copy(
                rows_v.at[b], out_hbm.at[pl.ds(base, CHUNK)], osem[b]
            ).wait()
            pltpu.async_copy(
                table_hbm.at[idx_v.at[g + NBUF]], rows_v.at[b], gsem[b]
            )
        return carry

    lax.fori_loop(0, NTURN - 1, turn_body, 0)

    for b in range(NBUF):
        g = (NTURN - 1) * NBUF + b
        pltpu.make_async_copy(
            table_hbm.at[idx_v.at[g]], rows_v.at[b], gsem[b]
        ).wait()
        pltpu.async_copy(
            rows_v.at[b], out_hbm.at[pl.ds(base + g * CHUNK, CHUNK)], osem[b]
        )
    for b in range(NBUF):
        pltpu.make_async_copy(
            rows_v.at[b], out_hbm.at[pl.ds(base, CHUNK)], osem[b]
        ).wait()


def kernel(x, rel_emb_weight):
    idx = x.reshape(NW, NCHUNK, CHUNK)
    out = _gather_kernel(idx, rel_emb_weight)
    return out.reshape(BATCH, HIST, DIM)

# --- scband reference (transcript-rebuilt; emitter-appended) ---
"""Pipeline reference for scband-relation-embedding-82334523064728 (READ-ONLY COPY).

The authoritative reference and input builder live on the scoring server;
editing this copy changes nothing except your own understanding.
"""

import jax, jax.numpy as jnp
import numpy as np

WORD_CNT = 100000
DIM = 128
BATCH = 4096
HIST = 200


def setup_inputs(seed: int = 0) -> dict:
    key = jax.random.key(seed)
    k1, k2 = jax.random.split(key)
    # Faithful init: uniform(-6/sqrt(dim), 6/sqrt(dim)), then L1-normalize all rows except the padding row.
    r = 6.0 / np.sqrt(DIM)
    table = jax.random.uniform(k1, (WORD_CNT + 1, DIM), minval=-r, maxval=r, dtype=jnp.float32)
    body = table[:-1, :]
    body = body / jnp.sum(jnp.abs(body), axis=1, keepdims=True)
    table = jnp.concatenate([body, table[-1:, :]], axis=0)
    x = jax.random.randint(k2, (BATCH, HIST), 0, WORD_CNT + 1, dtype=jnp.int32)
    return {"x": x, "rel_emb_weight": table}


def reference(x, rel_emb_weight):
    # forward is an embedding lookup into the relation table
    # (original code references self.ent_emb, a typo for self.rel_emb)
    return jnp.take(rel_emb_weight, x, axis=0)

if __name__ == "__main__":
    import jax
    _d = setup_inputs()
    print(jax.jit(kernel)(*tuple(_d.values())))

</pallas_src>

<mosaic_0001>
#map = affine_map<(d0, d1) -> (0, 0, 0)>
#map1 = affine_map<(d0, d1) -> (0, 0)>
module attributes {stable_mosaic.version = 14 : i64} {
  func.func @_gather_kernel(%arg0: i32, %arg1: i32, %arg2: memref<32x200x128xi32, #tpu.memory_space<hbm>>, %arg3: memref<100001x128xf32, #tpu.memory_space<hbm>>, %arg4: memref<819200x128xf32, #tpu.memory_space<hbm>>, %arg5: memref<200x128xi32, #tpu.memory_space<vmem>>, %arg6: memref<4x128x128xf32, #tpu.memory_space<vmem>>, %arg7: memref<!tpu.dma_semaphore, #tpu.memory_space<semaphore_mem>>, %arg8: memref<!tpu.dma_semaphore, #tpu.memory_space<semaphore_mem>>, %arg9: memref<!tpu.dma_semaphore, #tpu.memory_space<semaphore_mem>>, %arg10: memref<!tpu.dma_semaphore, #tpu.memory_space<semaphore_mem>>, %arg11: memref<!tpu.dma_semaphore, #tpu.memory_space<semaphore_mem>>, %arg12: memref<!tpu.dma_semaphore, #tpu.memory_space<semaphore_mem>>, %arg13: memref<!tpu.dma_semaphore, #tpu.memory_space<semaphore_mem>>, %arg14: memref<!tpu.dma_semaphore, #tpu.memory_space<semaphore_mem>>) attributes {dimension_semantics = [#tpu.dimension_semantics<core_parallel>, #tpu.dimension_semantics<subcore_parallel>], iteration_bounds = array<i64: 2, 16>, scalar_prefetch = 0 : i64, scratch_operands = 10 : i64, tpu.core_type = #tpu.core_type<sc_vector_subcore>, window_params = [{transform_indices = #map}, {transform_indices = #map1}, {transform_indices = #map1}]} {
    %mul3A = arith.constant 2 : i32
    %mul3A_0 = arith.muli %arg1, %mul3A : i32
    %add3A = arith.addi %mul3A_0, %arg0 : i32
    %mul3A_1 = arith.constant 25600 : i32
    %mul3A_2 = arith.muli %add3A, %mul3A_1 : i32
    "tpu.region"() ({
      %run_scoped3A = tpu.sem_alloc : memref<!tpu.dma_semaphore, #tpu.memory_space<semaphore_mem>>
      %dma_start3A_214 = arith.constant 0 : i32
      %dma_start3A_215 = arith.constant 0 : i32
      %dma_start3A_216 = tpu.memref_slice %arg2[%add3A, %dma_start3A_214, %dma_start3A_215] : memref<32x200x128xi32, #tpu.memory_space<hbm>> -> memref<1x200x128xi32, #tpu.memory_space<hbm>>
      %dma_start3A_217 = tpu.memref_squeeze %dma_start3A_216 : memref<1x200x128xi32, #tpu.memory_space<hbm>> -> memref<200x128xi32, #tpu.memory_space<hbm>>
      %dma_start3A_218 = arith.constant 0 : i32
      %dma_start3A_219 = arith.constant 0 : i32
      %dma_start3A_220 = tpu.memref_slice %arg2[%add3A, %dma_start3A_218, %dma_start3A_219] : memref<32x200x128xi32, #tpu.memory_space<hbm>> -> memref<1x200x128xi32, #tpu.memory_space<hbm>>
      %dma_start3A_221 = tpu.memref_squeeze %dma_start3A_220 : memref<1x200x128xi32, #tpu.memory_space<hbm>> -> memref<200x128xi32, #tpu.memory_space<hbm>>
      tpu.enqueue_dma source(%dma_start3A_221 : memref<200x128xi32, #tpu.memory_space<hbm>>) target(%arg5 : memref<200x128xi32, #tpu.memory_space<vmem>>) target_semaphore(%run_scoped3A : memref<!tpu.dma_semaphore, #tpu.memory_space<semaphore_mem>>)
      %dma_wait3A_222 = arith.constant 0 : i32
      %dma_wait3A_223 = arith.constant 0 : i32
      %dma_wait3A_224 = tpu.memref_slice %arg2[%add3A, %dma_wait3A_222, %dma_wait3A_223] : memref<32x200x128xi32, #tpu.memory_space<hbm>> -> memref<1x200x128xi32, #tpu.memory_space<hbm>>
      %dma_wait3A_225 = tpu.memref_squeeze %dma_wait3A_224 : memref<1x200x128xi32, #tpu.memory_space<hbm>> -> memref<200x128xi32, #tpu.memory_space<hbm>>
      %dma_wait3A_226 = arith.constant 0 : i32
      %dma_wait3A_227 = arith.constant 0 : i32
      %dma_wait3A_228 = tpu.memref_slice %arg2[%add3A, %dma_wait3A_226, %dma_wait3A_227] : memref<32x200x128xi32, #tpu.memory_space<hbm>> -> memref<1x200x128xi32, #tpu.memory_space<hbm>>
      %dma_wait3A_229 = tpu.memref_squeeze %dma_wait3A_228 : memref<1x200x128xi32, #tpu.memory_space<hbm>> -> memref<200x128xi32, #tpu.memory_space<hbm>>
      tpu.wait_dma2 semaphore(%run_scoped3A : memref<!tpu.dma_semaphore, #tpu.memory_space<semaphore_mem>>) src(%dma_wait3A_229 : memref<200x128xi32, #tpu.memory_space<hbm>>) dst(%arg5 : memref<200x128xi32, #tpu.memory_space<vmem>>)
      tpu.yield
    }) : () -> ()
    %dma_start3A = arith.constant 0 : i32
    %dma_start3A_3 = arith.constant 0 : i32
    %dma_start3A_4 = arith.constant 0 : i32
    %dma_start3A_5 = arith.constant 0 : i32
    %dma_start3A_6 = tpu.memref_slice %arg6[%dma_start3A_3, %dma_start3A_4, %dma_start3A_5] : memref<4x128x128xf32, #tpu.memory_space<vmem>> -> memref<1x128x128xf32, #tpu.memory_space<vmem>>
    %dma_start3A_7 = tpu.memref_squeeze %dma_start3A_6 : memref<1x128x128xf32, #tpu.memory_space<vmem>> -> memref<128x128xf32, #tpu.memory_space<vmem>>
    %dma_start3A_8 = arith.constant 0 : i32
    %dma_start3A_9 = tpu.memref_slice %arg5[%dma_start3A, %dma_start3A_8] : memref<200x128xi32, #tpu.memory_space<vmem>> -> memref<1x128xi32, #tpu.memory_space<vmem>>
    %dma_start3A_10 = tpu.memref_squeeze %dma_start3A_9 : memref<1x128xi32, #tpu.memory_space<vmem>> -> memref<128xi32, #tpu.memory_space<vmem>>
    %dma_start3A_11 = arith.constant 0 : i32
    %dma_start3A_12 = arith.constant 0 : i32
    %dma_start3A_13 = tpu.memref_slice %arg3[%dma_start3A_11, %dma_start3A_12] : memref<100001x128xf32, #tpu.memory_space<hbm>> -> memref<100001x128xf32, #tpu.memory_space<hbm>>
    tpu.enqueue_indirect_dma source(%dma_start3A_13 : memref<100001x128xf32, #tpu.memory_space<hbm>>) target(%dma_start3A_7 : memref<128x128xf32, #tpu.memory_space<vmem>>) offsets(%dma_start3A_10 : memref<128xi32, #tpu.memory_space<vmem>>) semaphore(%arg7 : memref<!tpu.dma_semaphore, #tpu.memory_space<semaphore_mem>>)
    %dma_start3A_14 = arith.constant 1 : i32
    %dma_start3A_15 = arith.constant 1 : i32
    %dma_start3A_16 = arith.constant 0 : i32
    %dma_start3A_17 = arith.constant 0 : i32
    %dma_start3A_18 = tpu.memref_slice %arg6[%dma_start3A_15, %dma_start3A_16, %dma_start3A_17] : memref<4x128x128xf32, #tpu.memory_space<vmem>> -> memref<1x128x128xf32, #tpu.memory_space<vmem>>
    %dma_start3A_19 = tpu.memref_squeeze %dma_start3A_18 : memref<1x128x128xf32, #tpu.memory_space<vmem>> -> memref<128x128xf32, #tpu.memory_space<vmem>>
    %dma_start3A_20 = arith.constant 0 : i32
    %dma_start3A_21 = tpu.memref_slice %arg5[%dma_start3A_14, %dma_start3A_20] : memref<200x128xi32, #tpu.memory_space<vmem>> -> memref<1x128xi32, #tpu.memory_space<vmem>>
    %dma_start3A_22 = tpu.memref_squeeze %dma_start3A_21 : memref<1x128xi32, #tpu.memory_space<vmem>> -> memref<128xi32, #tpu.memory_space<vmem>>
    %dma_start3A_23 = arith.constant 0 : i32
    %dma_start3A_24 = arith.constant 0 : i32
    %dma_start3A_25 = tpu.memref_slice %arg3[%dma_start3A_23, %dma_start3A_24] : memref<100001x128xf32, #tpu.memory_space<hbm>> -> memref<100001x128xf32, #tpu.memory_space<hbm>>
    tpu.enqueue_indirect_dma source(%dma_start3A_25 : memref<100001x128xf32, #tpu.memory_space<hbm>>) target(%dma_start3A_19 : memref<128x128xf32, #tpu.memory_space<vmem>>) offsets(%dma_start3A_22 : memref<128xi32, #tpu.memory_space<vmem>>) semaphore(%arg8 : memref<!tpu.dma_semaphore, #tpu.memory_space<semaphore_mem>>)
    %dma_start3A_26 = arith.constant 2 : i32
    %dma_start3A_27 = arith.constant 2 : i32
    %dma_start3A_28 = arith.constant 0 : i32
    %dma_start3A_29 = arith.constant 0 : i32
    %dma_start3A_30 = tpu.memref_slice %arg6[%dma_start3A_27, %dma_start3A_28, %dma_start3A_29] : memref<4x128x128xf32, #tpu.memory_space<vmem>> -> memref<1x128x128xf32, #tpu.memory_space<vmem>>
    %dma_start3A_31 = tpu.memref_squeeze %dma_start3A_30 : memref<1x128x128xf32, #tpu.memory_space<vmem>> -> memref<128x128xf32, #tpu.memory_space<vmem>>
    %dma_start3A_32 = arith.constant 0 : i32
    %dma_start3A_33 = tpu.memref_slice %arg5[%dma_start3A_26, %dma_start3A_32] : memref<200x128xi32, #tpu.memory_space<vmem>> -> memref<1x128xi32, #tpu.memory_space<vmem>>
    %dma_start3A_34 = tpu.memref_squeeze %dma_start3A_33 : memref<1x128xi32, #tpu.memory_space<vmem>> -> memref<128xi32, #tpu.memory_space<vmem>>
    %dma_start3A_35 = arith.constant 0 : i32
    %dma_start3A_36 = arith.constant 0 : i32
    %dma_start3A_37 = tpu.memref_slice %arg3[%dma_start3A_35, %dma_start3A_36] : memref<100001x128xf32, #tpu.memory_space<hbm>> -> memref<100001x128xf32, #tpu.memory_space<hbm>>
    tpu.enqueue_indirect_dma source(%dma_start3A_37 : memref<100001x128xf32, #tpu.memory_space<hbm>>) target(%dma_start3A_31 : memref<128x128xf32, #tpu.memory_space<vmem>>) offsets(%dma_start3A_34 : memref<128xi32, #tpu.memory_space<vmem>>) semaphore(%arg9 : memref<!tpu.dma_semaphore, #tpu.memory_space<semaphore_mem>>)
    %dma_start3A_38 = arith.constant 3 : i32
    %dma_start3A_39 = arith.constant 3 : i32
    %dma_start3A_40 = arith.constant 0 : i32
    %dma_start3A_41 = arith.constant 0 : i32
    %dma_start3A_42 = tpu.memref_slice %arg6[%dma_start3A_39, %dma_start3A_40, %dma_start3A_41] : memref<4x128x128xf32, #tpu.memory_space<vmem>> -> memref<1x128x128xf32, #tpu.memory_space<vmem>>
    %dma_start3A_43 = tpu.memref_squeeze %dma_start3A_42 : memref<1x128x128xf32, #tpu.memory_space<vmem>> -> memref<128x128xf32, #tpu.memory_space<vmem>>
    %dma_start3A_44 = arith.constant 0 : i32
    %dma_start3A_45 = tpu.memref_slice %arg5[%dma_start3A_38, %dma_start3A_44] : memref<200x128xi32, #tpu.memory_space<vmem>> -> memref<1x128xi32, #tpu.memory_space<vmem>>
    %dma_start3A_46 = tpu.memref_squeeze %dma_start3A_45 : memref<1x128xi32, #tpu.memory_space<vmem>> -> memref<128xi32, #tpu.memory_space<vmem>>
    %dma_start3A_47 = arith.constant 0 : i32
    %dma_start3A_48 = arith.constant 0 : i32
    %dma_start3A_49 = tpu.memref_slice %arg3[%dma_start3A_47, %dma_start3A_48] : memref<100001x128xf32, #tpu.memory_space<hbm>> -> memref<100001x128xf32, #tpu.memory_space<hbm>>
    tpu.enqueue_indirect_dma source(%dma_start3A_49 : memref<100001x128xf32, #tpu.memory_space<hbm>>) target(%dma_start3A_43 : memref<128x128xf32, #tpu.memory_space<vmem>>) offsets(%dma_start3A_46 : memref<128xi32, #tpu.memory_space<vmem>>) semaphore(%arg10 : memref<!tpu.dma_semaphore, #tpu.memory_space<semaphore_mem>>)
    %scan3A = arith.constant 0 : i32
    %scan3A_50 = arith.constant 0 : i32
    %scan3A_51 = arith.constant 49 : i32
    %scan3A_52 = arith.addi %scan3A_50, %scan3A_51 : i32
    %scan3A_53 = arith.constant 1 : i32
    scf.for %scan3A_214 = %scan3A_50 to %scan3A_52 step %scan3A_53  : i32 {
      %mul3A_215 = arith.constant 4 : i32
      %mul3A_216 = arith.muli %scan3A_214, %mul3A_215 : i32
      %add3A_217 = arith.constant 0 : i32
      %add3A_218 = arith.addi %mul3A_216, %add3A_217 : i32
      %dma_wait3A_219 = arith.constant 0 : i32
      %dma_wait3A_220 = arith.constant 0 : i32
      %dma_wait3A_221 = arith.constant 0 : i32
      %dma_wait3A_222 = tpu.memref_slice %arg6[%dma_wait3A_219, %dma_wait3A_220, %dma_wait3A_221] : memref<4x128x128xf32, #tpu.memory_space<vmem>> -> memref<1x128x128xf32, #tpu.memory_space<vmem>>
      %dma_wait3A_223 = tpu.memref_squeeze %dma_wait3A_222 : memref<1x128x128xf32, #tpu.memory_space<vmem>> -> memref<128x128xf32, #tpu.memory_space<vmem>>
      %dma_wait3A_224 = arith.constant 0 : i32
      %dma_wait3A_225 = tpu.memref_slice %arg5[%add3A_218, %dma_wait3A_224] : memref<200x128xi32, #tpu.memory_space<vmem>> -> memref<1x128xi32, #tpu.memory_space<vmem>>
      %dma_wait3A_226 = tpu.memref_squeeze %dma_wait3A_225 : memref<1x128xi32, #tpu.memory_space<vmem>> -> memref<128xi32, #tpu.memory_space<vmem>>
      %dma_wait3A_227 = arith.constant 0 : i32
      %dma_wait3A_228 = arith.constant 0 : i32
      %dma_wait3A_229 = tpu.memref_slice %arg3[%dma_wait3A_227, %dma_wait3A_228] : memref<100001x128xf32, #tpu.memory_space<hbm>> -> memref<100001x128xf32, #tpu.memory_space<hbm>>
      tpu.wait_indirect_dma semaphore(%arg7 : memref<!tpu.dma_semaphore, #tpu.memory_space<semaphore_mem>>) src(%dma_wait3A_229 : memref<100001x128xf32, #tpu.memory_space<hbm>>) dst(%dma_wait3A_223 : memref<128x128xf32, #tpu.memory_space<vmem>>)
      %mul3A_230 = arith.constant 128 : i32
      %mul3A_231 = arith.muli %add3A_218, %mul3A_230 : i32
      %add3A_232 = arith.addi %mul3A_2, %mul3A_231 : i32
      %dma_start3A_233 = arith.constant 0 : i32
      %dma_start3A_234 = arith.constant 0 : i32
      %dma_start3A_235 = arith.constant 0 : i32
      %dma_start3A_236 = tpu.memref_slice %arg6[%dma_start3A_233, %dma_start3A_234, %dma_start3A_235] : memref<4x128x128xf32, #tpu.memory_space<vmem>> -> memref<1x128x128xf32, #tpu.memory_space<vmem>>
      %dma_start3A_237 = tpu.memref_squeeze %dma_start3A_236 : memref<1x128x128xf32, #tpu.memory_space<vmem>> -> memref<128x128xf32, #tpu.memory_space<vmem>>
      %dma_start3A_238 = arith.constant 0 : i32
      %dma_start3A_239 = tpu.memref_slice %arg4[%add3A_232, %dma_start3A_238] : memref<819200x128xf32, #tpu.memory_space<hbm>> -> memref<128x128xf32, #tpu.memory_space<hbm>>
      %dma_start3A_240 = arith.constant 0 : i32
      %dma_start3A_241 = tpu.memref_slice %arg4[%add3A_232, %dma_start3A_240] : memref<819200x128xf32, #tpu.memory_space<hbm>> -> memref<128x128xf32, #tpu.memory_space<hbm>>
      %dma_start3A_242 = arith.constant 0 : i32
      %dma_start3A_243 = arith.constant 0 : i32
      %dma_start3A_244 = tpu.memref_slice %arg6[%dma_start3A_233, %dma_start3A_242, %dma_start3A_243] : memref<4x128x128xf32, #tpu.memory_space<vmem>> -> memref<1x128x128xf32, #tpu.memory_space<vmem>>
      %dma_start3A_245 = tpu.memref_squeeze %dma_start3A_244 : memref<1x128x128xf32, #tpu.memory_space<vmem>> -> memref<128x128xf32, #tpu.memory_space<vmem>>
      tpu.enqueue_dma source(%dma_start3A_245 : memref<128x128xf32, #tpu.memory_space<vmem>>) target(%dma_start3A_241 : memref<128x128xf32, #tpu.memory_space<hbm>>) target_semaphore(%arg11 : memref<!tpu.dma_semaphore, #tpu.memory_space<semaphore_mem>>)
      %dma_wait3A_246 = arith.constant 0 : i32
      %dma_wait3A_247 = arith.constant 0 : i32
      %dma_wait3A_248 = arith.constant 0 : i32
      %dma_wait3A_249 = tpu.memref_slice %arg6[%dma_wait3A_246, %dma_wait3A_247, %dma_wait3A_248] : memref<4x128x128xf32, #tpu.memory_space<vmem>> -> memref<1x128x128xf32, #tpu.memory_space<vmem>>
      %dma_wait3A_250 = tpu.memref_squeeze %dma_wait3A_249 : memref<1x128x128xf32, #tpu.memory_space<vmem>> -> memref<128x128xf32, #tpu.memory_space<vmem>>
      %dma_wait3A_251 = arith.constant 0 : i32
      %dma_wait3A_252 = tpu.memref_slice %arg4[%mul3A_2, %dma_wait3A_251] : memref<819200x128xf32, #tpu.memory_space<hbm>> -> memref<128x128xf32, #tpu.memory_space<hbm>>
      %dma_wait3A_253 = arith.constant 0 : i32
      %dma_wait3A_254 = tpu.memref_slice %arg4[%mul3A_2, %dma_wait3A_253] : memref<819200x128xf32, #tpu.memory_space<hbm>> -> memref<128x128xf32, #tpu.memory_space<hbm>>
      %dma_wait3A_255 = arith.constant 0 : i32
      %dma_wait3A_256 = arith.constant 0 : i32
      %dma_wait3A_257 = tpu.memref_slice %arg6[%dma_wait3A_246, %dma_wait3A_255, %dma_wait3A_256] : memref<4x128x128xf32, #tpu.memory_space<vmem>> -> memref<1x128x128xf32, #tpu.memory_space<vmem>>
      %dma_wait3A_258 = tpu.memref_squeeze %dma_wait3A_257 : memref<1x128x128xf32, #tpu.memory_space<vmem>> -> memref<128x128xf32, #tpu.memory_space<vmem>>
      tpu.wait_dma2 semaphore(%arg11 : memref<!tpu.dma_semaphore, #tpu.memory_space<semaphore_mem>>) src(%dma_wait3A_258 : memref<128x128xf32, #tpu.memory_space<vmem>>) dst(%dma_wait3A_254 : memref<128x128xf32, #tpu.memory_space<hbm>>)
      %add3A_259 = arith.constant 4 : i32
      %add3A_260 = arith.addi %add3A_218, %add3A_259 : i32
      %dma_start3A_261 = arith.constant 0 : i32
      %dma_start3A_262 = arith.constant 0 : i32
      %dma_start3A_263 = arith.constant 0 : i32
      %dma_start3A_264 = tpu.memref_slice %arg6[%dma_start3A_261, %dma_start3A_262, %dma_start3A_263] : memref<4x128x128xf32, #tpu.memory_space<vmem>> -> memref<1x128x128xf32, #tpu.memory_space<vmem>>
      %dma_start3A_265 = tpu.memref_squeeze %dma_start3A_264 : memref<1x128x128xf32, #tpu.memory_space<vmem>> -> memref<128x128xf32, #tpu.memory_space<vmem>>
      %dma_start3A_266 = arith.constant 0 : i32
      %dma_start3A_267 = tpu.memref_slice %arg5[%add3A_260, %dma_start3A_266] : memref<200x128xi32, #tpu.memory_space<vmem>> -> memref<1x128xi32, #tpu.memory_space<vmem>>
      %dma_start3A_268 = tpu.memref_squeeze %dma_start3A_267 : memref<1x128xi32, #tpu.memory_space<vmem>> -> memref<128xi32, #tpu.memory_space<vmem>>
      %dma_start3A_269 = arith.constant 0 : i32
      %dma_start3A_270 = arith.constant 0 : i32
      %dma_start3A_271 = tpu.memref_slice %arg3[%dma_start3A_269, %dma_start3A_270] : memref<100001x128xf32, #tpu.memory_space<hbm>> -> memref<100001x128xf32, #tpu.memory_space<hbm>>
      tpu.enqueue_indirect_dma source(%dma_start3A_271 : memref<100001x128xf32, #tpu.memory_space<hbm>>) target(%dma_start3A_265 : memref<128x128xf32, #tpu.memory_space<vmem>>) offsets(%dma_start3A_268 : memref<128xi32, #tpu.memory_space<vmem>>) semaphore(%arg7 : memref<!tpu.dma_semaphore, #tpu.memory_space<semaphore_mem>>)
      %mul3A_272 = arith.constant 4 : i32
      %mul3A_273 = arith.muli %scan3A_214, %mul3A_272 : i32
      %add3A_274 = arith.constant 1 : i32
      %add3A_275 = arith.addi %mul3A_273, %add3A_274 : i32
      %dma_wait3A_276 = arith.constant 1 : i32
      %dma_wait3A_277 = arith.constant 0 : i32
      %dma_wait3A_278 = arith.constant 0 : i32
      %dma_wait3A_279 = tpu.memref_slice %arg6[%dma_wait3A_276, %dma_wait3A_277, %dma_wait3A_278] : memref<4x128x128xf32, #tpu.memory_space<vmem>> -> memref<1x128x128xf32, #tpu.memory_space<vmem>>
      %dma_wait3A_280 = tpu.memref_squeeze %dma_wait3A_279 : memref<1x128x128xf32, #tpu.memory_space<vmem>> -> memref<128x128xf32, #tpu.memory_space<vmem>>
      %dma_wait3A_281 = arith.constant 0 : i32
      %dma_wait3A_282 = tpu.memref_slice %arg5[%add3A_275, %dma_wait3A_281] : memref<200x128xi32, #tpu.memory_space<vmem>> -> memref<1x128xi32, #tpu.memory_space<vmem>>
      %dma_wait3A_283 = tpu.memref_squeeze %dma_wait3A_282 : memref<1x128xi32, #tpu.memory_space<vmem>> -> memref<128xi32, #tpu.memory_space<vmem>>
      %dma_wait3A_284 = arith.constant 0 : i32
      %dma_wait3A_285 = arith.constant 0 : i32
      %dma_wait3A_286 = tpu.memref_slice %arg3[%dma_wait3A_284, %dma_wait3A_285] : memref<100001x128xf32, #tpu.memory_space<hbm>> -> memref<100001x128xf32, #tpu.memory_space<hbm>>
      tpu.wait_indirect_dma semaphore(%arg8 : memref<!tpu.dma_semaphore, #tpu.memory_space<semaphore_mem>>) src(%dma_wait3A_286 : memref<100001x128xf32, #tpu.memory_space<hbm>>) dst(%dma_wait3A_280 : memref<128x128xf32, #tpu.memory_space<vmem>>)
      %mul3A_287 = arith.constant 128 : i32
      %mul3A_288 = arith.muli %add3A_275, %mul3A_287 : i32
      %add3A_289 = arith.addi %mul3A_2, %mul3A_288 : i32
      %dma_start3A_290 = arith.constant 1 : i32
      %dma_start3A_291 = arith.constant 0 : i32
      %dma_start3A_292 = arith.constant 0 : i32
      %dma_start3A_293 = tpu.memref_slice %arg6[%dma_start3A_290, %dma_start3A_291, %dma_start3A_292] : memref<4x128x128xf32, #tpu.memory_space<vmem>> -> memref<1x128x128xf32, #tpu.memory_space<vmem>>
      %dma_start3A_294 = tpu.memref_squeeze %dma_start3A_293 : memref<1x128x128xf32, #tpu.memory_space<vmem>> -> memref<128x128xf32, #tpu.memory_space<vmem>>
      %dma_start3A_295 = arith.constant 0 : i32
      %dma_start3A_296 = tpu.memref_slice %arg4[%add3A_289, %dma_start3A_295] : memref<819200x128xf32, #tpu.memory_space<hbm>> -> memref<128x128xf32, #tpu.memory_space<hbm>>
      %dma_start3A_297 = arith.constant 0 : i32
      %dma_start3A_298 = tpu.memref_slice %arg4[%add3A_289, %dma_start3A_297] : memref<819200x128xf32, #tpu.memory_space<hbm>> -> memref<128x128xf32, #tpu.memory_space<hbm>>
      %dma_start3A_299 = arith.constant 0 : i32
      %dma_start3A_300 = arith.constant 0 : i32
      %dma_start3A_301 = tpu.memref_slice %arg6[%dma_start3A_290, %dma_start3A_299, %dma_start3A_300] : memref<4x128x128xf32, #tpu.memory_space<vmem>> -> memref<1x128x128xf32, #tpu.memory_space<vmem>>
      %dma_start3A_302 = tpu.memref_squeeze %dma_start3A_301 : memref<1x128x128xf32, #tpu.memory_space<vmem>> -> memref<128x128xf32, #tpu.memory_space<vmem>>
      tpu.enqueue_dma source(%dma_start3A_302 : memref<128x128xf32, #tpu.memory_space<vmem>>) target(%dma_start3A_298 : memref<128x128xf32, #tpu.memory_space<hbm>>) target_semaphore(%arg12 : memref<!tpu.dma_semaphore, #tpu.memory_space<semaphore_mem>>)
      %dma_wait3A_303 = arith.constant 1 : i32
      %dma_wait3A_304 = arith.constant 0 : i32
      %dma_wait3A_305 = arith.constant 0 : i32
      %dma_wait3A_306 = tpu.memref_slice %arg6[%dma_wait3A_303, %dma_wait3A_304, %dma_wait3A_305] : memref<4x128x128xf32, #tpu.memory_space<vmem>> -> memref<1x128x128xf32, #tpu.memory_space<vmem>>
      %dma_wait3A_307 = tpu.memref_squeeze %dma_wait3A_306 : memref<1x128x128xf32, #tpu.memory_space<vmem>> -> memref<128x128xf32, #tpu.memory_space<vmem>>
      %dma_wait3A_308 = arith.constant 0 : i32
      %dma_wait3A_309 = tpu.memref_slice %arg4[%mul3A_2, %dma_wait3A_308] : memref<819200x128xf32, #tpu.memory_space<hbm>> -> memref<128x128xf32, #tpu.memory_space<hbm>>
      %dma_wait3A_310 = arith.constant 0 : i32
      %dma_wait3A_311 = tpu.memref_slice %arg4[%mul3A_2, %dma_wait3A_310] : memref<819200x128xf32, #tpu.memory_space<hbm>> -> memref<128x128xf32, #tpu.memory_space<hbm>>
      %dma_wait3A_312 = arith.constant 0 : i32
      %dma_wait3A_313 = arith.constant 0 : i32
      %dma_wait3A_314 = tpu.memref_slice %arg6[%dma_wait3A_303, %dma_wait3A_312, %dma_wait3A_313] : memref<4x128x128xf32, #tpu.memory_space<vmem>> -> memref<1x128x128xf32, #tpu.memory_space<vmem>>
      %dma_wait3A_315 = tpu.memref_squeeze %dma_wait3A_314 : memref<1x128x128xf32, #tpu.memory_space<vmem>> -> memref<128x128xf32, #tpu.memory_space<vmem>>
      tpu.wait_dma2 semaphore(%arg12 : memref<!tpu.dma_semaphore, #tpu.memory_space<semaphore_mem>>) src(%dma_wait3A_315 : memref<128x128xf32, #tpu.memory_space<vmem>>) dst(%dma_wait3A_311 : memref<128x128xf32, #tpu.memory_space<hbm>>)
      %add3A_316 = arith.constant 4 : i32
      %add3A_317 = arith.addi %add3A_275, %add3A_316 : i32
      %dma_start3A_318 = arith.constant 1 : i32
      %dma_start3A_319 = arith.constant 0 : i32
      %dma_start3A_320 = arith.constant 0 : i32
      %dma_start3A_321 = tpu.memref_slice %arg6[%dma_start3A_318, %dma_start3A_319, %dma_start3A_320] : memref<4x128x128xf32, #tpu.memory_space<vmem>> -> memref<1x128x128xf32, #tpu.memory_space<vmem>>
      %dma_start3A_322 = tpu.memref_squeeze %dma_start3A_321 : memref<1x128x128xf32, #tpu.memory_space<vmem>> -> memref<128x128xf32, #tpu.memory_space<vmem>>
      %dma_start3A_323 = arith.constant 0 : i32
      %dma_start3A_324 = tpu.memref_slice %arg5[%add3A_317, %dma_start3A_323] : memref<200x128xi32, #tpu.memory_space<vmem>> -> memref<1x128xi32, #tpu.memory_space<vmem>>
      %dma_start3A_325 = tpu.memref_squeeze %dma_start3A_324 : memref<1x128xi32, #tpu.memory_space<vmem>> -> memref<128xi32, #tpu.memory_space<vmem>>
      %dma_start3A_326 = arith.constant 0 : i32
      %dma_start3A_327 = arith.constant 0 : i32
      %dma_start3A_328 = tpu.memref_slice %arg3[%dma_start3A_326, %dma_start3A_327] : memref<100001x128xf32, #tpu.memory_space<hbm>> -> memref<100001x128xf32, #tpu.memory_space<hbm>>
      tpu.enqueue_indirect_dma source(%dma_start3A_328 : memref<100001x128xf32, #tpu.memory_space<hbm>>) target(%dma_start3A_322 : memref<128x128xf32, #tpu.memory_space<vmem>>) offsets(%dma_start3A_325 : memref<128xi32, #tpu.memory_space<vmem>>) semaphore(%arg8 : memref<!tpu.dma_semaphore, #tpu.memory_space<semaphore_mem>>)
      %mul3A_329 = arith.constant 4 : i32
      %mul3A_330 = arith.muli %scan3A_214, %mul3A_329 : i32
      %add3A_331 = arith.constant 2 : i32
      %add3A_332 = arith.addi %mul3A_330, %add3A_331 : i32
      %dma_wait3A_333 = arith.constant 2 : i32
      %dma_wait3A_334 = arith.constant 0 : i32
      %dma_wait3A_335 = arith.constant 0 : i32
      %dma_wait3A_336 = tpu.memref_slice %arg6[%dma_wait3A_333, %dma_wait3A_334, %dma_wait3A_335] : memref<4x128x128xf32, #tpu.memory_space<vmem>> -> memref<1x128x128xf32, #tpu.memory_space<vmem>>
      %dma_wait3A_337 = tpu.memref_squeeze %dma_wait3A_336 : memref<1x128x128xf32, #tpu.memory_space<vmem>> -> memref<128x128xf32, #tpu.memory_space<vmem>>
      %dma_wait3A_338 = arith.constant 0 : i32
      %dma_wait3A_339 = tpu.memref_slice %arg5[%add3A_332, %dma_wait3A_338] : memref<200x128xi32, #tpu.memory_space<vmem>> -> memref<1x128xi32, #tpu.memory_space<vmem>>
      %dma_wait3A_340 = tpu.memref_squeeze %dma_wait3A_339 : memref<1x128xi32, #tpu.memory_space<vmem>> -> memref<128xi32, #tpu.memory_space<vmem>>
      %dma_wait3A_341 = arith.constant 0 : i32
      %dma_wait3A_342 = arith.constant 0 : i32
      %dma_wait3A_343 = tpu.memref_slice %arg3[%dma_wait3A_341, %dma_wait3A_342] : memref<100001x128xf32, #tpu.memory_space<hbm>> -> memref<100001x128xf32, #tpu.memory_space<hbm>>
      tpu.wait_indirect_dma semaphore(%arg9 : memref<!tpu.dma_semaphore, #tpu.memory_space<semaphore_mem>>) src(%dma_wait3A_343 : memref<100001x128xf32, #tpu.memory_space<hbm>>) dst(%dma_wait3A_337 : memref<128x128xf32, #tpu.memory_space<vmem>>)
      %mul3A_344 = arith.constant 128 : i32
      %mul3A_345 = arith.muli %add3A_332, %mul3A_344 : i32
      %add3A_346 = arith.addi %mul3A_2, %mul3A_345 : i32
      %dma_start3A_347 = arith.constant 2 : i32
      %dma_start3A_348 = arith.constant 0 : i32
      %dma_start3A_349 = arith.constant 0 : i32
      %dma_start3A_350 = tpu.memref_slice %arg6[%dma_start3A_347, %dma_start3A_348, %dma_start3A_349] : memref<4x128x128xf32, #tpu.memory_space<vmem>> -> memref<1x128x128xf32, #tpu.memory_space<vmem>>
      %dma_start3A_351 = tpu.memref_squeeze %dma_start3A_350 : memref<1x128x128xf32, #tpu.memory_space<vmem>> -> memref<128x128xf32, #tpu.memory_space<vmem>>
      %dma_start3A_352 = arith.constant 0 : i32
      %dma_start3A_353 = tpu.memref_slice %arg4[%add3A_346, %dma_start3A_352] : memref<819200x128xf32, #tpu.memory_space<hbm>> -> memref<128x128xf32, #tpu.memory_space<hbm>>
      %dma_start3A_354 = arith.constant 0 : i32
      %dma_start3A_355 = tpu.memref_slice %arg4[%add3A_346, %dma_start3A_354] : memref<819200x128xf32, #tpu.memory_space<hbm>> -> memref<128x128xf32, #tpu.memory_space<hbm>>
      %dma_start3A_356 = arith.constant 0 : i32
      %dma_start3A_357 = arith.constant 0 : i32
      %dma_start3A_358 = tpu.memref_slice %arg6[%dma_start3A_347, %dma_start3A_356, %dma_start3A_357] : memref<4x128x128xf32, #tpu.memory_space<vmem>> -> memref<1x128x128xf32, #tpu.memory_space<vmem>>
      %dma_start3A_359 = tpu.memref_squeeze %dma_start3A_358 : memref<1x128x128xf32, #tpu.memory_space<vmem>> -> memref<128x128xf32, #tpu.memory_space<vmem>>
      tpu.enqueue_dma source(%dma_start3A_359 : memref<128x128xf32, #tpu.memory_space<vmem>>) target(%dma_start3A_355 : memref<128x128xf32, #tpu.memory_space<hbm>>) target_semaphore(%arg13 : memref<!tpu.dma_semaphore, #tpu.memory_space<semaphore_mem>>)
      %dma_wait3A_360 = arith.constant 2 : i32
      %dma_wait3A_361 = arith.constant 0 : i32
      %dma_wait3A_362 = arith.constant 0 : i32
      %dma_wait3A_363 = tpu.memref_slice %arg6[%dma_wait3A_360, %dma_wait3A_361, %dma_wait3A_362] : memref<4x128x128xf32, #tpu.memory_space<vmem>> -> memref<1x128x128xf32, #tpu.memory_space<vmem>>
      %dma_wait3A_364 = tpu.memref_squeeze %dma_wait3A_363 : memref<1x128x128xf32, #tpu.memory_space<vmem>> -> memref<128x128xf32, #tpu.memory_space<vmem>>
      %dma_wait3A_365 = arith.constant 0 : i32
      %dma_wait3A_366 = tpu.memref_slice %arg4[%mul3A_2, %dma_wait3A_365] : memref<819200x128xf32, #tpu.memory_space<hbm>> -> memref<128x128xf32, #tpu.memory_space<hbm>>
      %dma_wait3A_367 = arith.constant 0 : i32
      %dma_wait3A_368 = tpu.memref_slice %arg4[%mul3A_2, %dma_wait3A_367] : memref<819200x128xf32, #tpu.memory_space<hbm>> -> memref<128x128xf32, #tpu.memory_space<hbm>>
      %dma_wait3A_369 = arith.constant 0 : i32
      %dma_wait3A_370 = arith.constant 0 : i32
      %dma_wait3A_371 = tpu.memref_slice %arg6[%dma_wait3A_360, %dma_wait3A_369, %dma_wait3A_370] : memref<4x128x128xf32, #tpu.memory_space<vmem>> -> memref<1x128x128xf32, #tpu.memory_space<vmem>>
      %dma_wait3A_372 = tpu.memref_squeeze %dma_wait3A_371 : memref<1x128x128xf32, #tpu.memory_space<vmem>> -> memref<128x128xf32, #tpu.memory_space<vmem>>
      tpu.wait_dma2 semaphore(%arg13 : memref<!tpu.dma_semaphore, #tpu.memory_space<semaphore_mem>>) src(%dma_wait3A_372 : memref<128x128xf32, #tpu.memory_space<vmem>>) dst(%dma_wait3A_368 : memref<128x128xf32, #tpu.memory_space<hbm>>)
      %add3A_373 = arith.constant 4 : i32
      %add3A_374 = arith.addi %add3A_332, %add3A_373 : i32
      %dma_start3A_375 = arith.constant 2 : i32
      %dma_start3A_376 = arith.constant 0 : i32
      %dma_start3A_377 = arith.constant 0 : i32
      %dma_start3A_378 = tpu.memref_slice %arg6[%dma_start3A_375, %dma_start3A_376, %dma_start3A_377] : memref<4x128x128xf32, #tpu.memory_space<vmem>> -> memref<1x128x128xf32, #tpu.memory_space<vmem>>
      %dma_start3A_379 = tpu.memref_squeeze %dma_start3A_378 : memref<1x128x128xf32, #tpu.memory_space<vmem>> -> memref<128x128xf32, #tpu.memory_space<vmem>>
      %dma_start3A_380 = arith.constant 0 : i32
      %dma_start3A_381 = tpu.memref_slice %arg5[%add3A_374, %dma_start3A_380] : memref<200x128xi32, #tpu.memory_space<vmem>> -> memref<1x128xi32, #tpu.memory_space<vmem>>
      %dma_start3A_382 = tpu.memref_squeeze %dma_start3A_381 : memref<1x128xi32, #tpu.memory_space<vmem>> -> memref<128xi32, #tpu.memory_space<vmem>>
      %dma_start3A_383 = arith.constant 0 : i32
      %dma_start3A_384 = arith.constant 0 : i32
      %dma_start3A_385 = tpu.memref_slice %arg3[%dma_start3A_383, %dma_start3A_384] : memref<100001x128xf32, #tpu.memory_space<hbm>> -> memref<100001x128xf32, #tpu.memory_space<hbm>>
      tpu.enqueue_indirect_dma source(%dma_start3A_385 : memref<100001x128xf32, #tpu.memory_space<hbm>>) target(%dma_start3A_379 : memref<128x128xf32, #tpu.memory_space<vmem>>) offsets(%dma_start3A_382 : memref<128xi32, #tpu.memory_space<vmem>>) semaphore(%arg9 : memref<!tpu.dma_semaphore, #tpu.memory_space<semaphore_mem>>)
      %mul3A_386 = arith.constant 4 : i32
      %mul3A_387 = arith.muli %scan3A_214, %mul3A_386 : i32
      %add3A_388 = arith.constant 3 : i32
      %add3A_389 = arith.addi %mul3A_387, %add3A_388 : i32
      %dma_wait3A_390 = arith.constant 3 : i32
      %dma_wait3A_391 = arith.constant 0 : i32
      %dma_wait3A_392 = arith.constant 0 : i32
      %dma_wait3A_393 = tpu.memref_slice %arg6[%dma_wait3A_390, %dma_wait3A_391, %dma_wait3A_392] : memref<4x128x128xf32, #tpu.memory_space<vmem>> -> memref<1x128x128xf32, #tpu.memory_space<vmem>>
      %dma_wait3A_394 = tpu.memref_squeeze %dma_wait3A_393 : memref<1x128x128xf32, #tpu.memory_space<vmem>> -> memref<128x128xf32, #tpu.memory_space<vmem>>
      %dma_wait3A_395 = arith.constant 0 : i32
      %dma_wait3A_396 = tpu.memref_slice %arg5[%add3A_389, %dma_wait3A_395] : memref<200x128xi32, #tpu.memory_space<vmem>> -> memref<1x128xi32, #tpu.memory_space<vmem>>
      %dma_wait3A_397 = tpu.memref_squeeze %dma_wait3A_396 : memref<1x128xi32, #tpu.memory_space<vmem>> -> memref<128xi32, #tpu.memory_space<vmem>>
      %dma_wait3A_398 = arith.constant 0 : i32
      %dma_wait3A_399 = arith.constant 0 : i32
      %dma_wait3A_400 = tpu.memref_slice %arg3[%dma_wait3A_398, %dma_wait3A_399] : memref<100001x128xf32, #tpu.memory_space<hbm>> -> memref<100001x128xf32, #tpu.memory_space<hbm>>
      tpu.wait_indirect_dma semaphore(%arg10 : memref<!tpu.dma_semaphore, #tpu.memory_space<semaphore_mem>>) src(%dma_wait3A_400 : memref<100001x128xf32, #tpu.memory_space<hbm>>) dst(%dma_wait3A_394 : memref<128x128xf32, #tpu.memory_space<vmem>>)
      %mul3A_401 = arith.constant 128 : i32
      %mul3A_402 = arith.muli %add3A_389, %mul3A_401 : i32
      %add3A_403 = arith.addi %mul3A_2, %mul3A_402 : i32
      %dma_start3A_404 = arith.constant 3 : i32
      %dma_start3A_405 = arith.constant 0 : i32
      %dma_start3A_406 = arith.constant 0 : i32
      %dma_start3A_407 = tpu.memref_slice %arg6[%dma_start3A_404, %dma_start3A_405, %dma_start3A_406] : memref<4x128x128xf32, #tpu.memory_space<vmem>> -> memref<1x128x128xf32, #tpu.memory_space<vmem>>
      %dma_start3A_408 = tpu.memref_squeeze %dma_start3A_407 : memref<1x128x128xf32, #tpu.memory_space<vmem>> -> memref<128x128xf32, #tpu.memory_space<vmem>>
      %dma_start3A_409 = arith.constant 0 : i32
      %dma_start3A_410 = tpu.memref_slice %arg4[%add3A_403, %dma_start3A_409] : memref<819200x128xf32, #tpu.memory_space<hbm>> -> memref<128x128xf32, #tpu.memory_space<hbm>>
      %dma_start3A_411 = arith.constant 0 : i32
      %dma_start3A_412 = tpu.memref_slice %arg4[%add3A_403, %dma_start3A_411] : memref<819200x128xf32, #tpu.memory_space<hbm>> -> memref<128x128xf32, #tpu.memory_space<hbm>>
      %dma_start3A_413 = arith.constant 0 : i32
      %dma_start3A_414 = arith.constant 0 : i32
      %dma_start3A_415 = tpu.memref_slice %arg6[%dma_start3A_404, %dma_start3A_413, %dma_start3A_414] : memref<4x128x128xf32, #tpu.memory_space<vmem>> -> memref<1x128x128xf32, #tpu.memory_space<vmem>>
      %dma_start3A_416 = tpu.memref_squeeze %dma_start3A_415 : memref<1x128x128xf32, #tpu.memory_space<vmem>> -> memref<128x128xf32, #tpu.memory_space<vmem>>
      tpu.enqueue_dma source(%dma_start3A_416 : memref<128x128xf32, #tpu.memory_space<vmem>>) target(%dma_start3A_412 : memref<128x128xf32, #tpu.memory_space<hbm>>) target_semaphore(%arg14 : memref<!tpu.dma_semaphore, #tpu.memory_space<semaphore_mem>>)
      %dma_wait3A_417 = arith.constant 3 : i32
      %dma_wait3A_418 = arith.constant 0 : i32
      %dma_wait3A_419 = arith.constant 0 : i32
      %dma_wait3A_420 = tpu.memref_slice %arg6[%dma_wait3A_417, %dma_wait3A_418, %dma_wait3A_419] : memref<4x128x128xf32, #tpu.memory_space<vmem>> -> memref<1x128x128xf32, #tpu.memory_space<vmem>>
      %dma_wait3A_421 = tpu.memref_squeeze %dma_wait3A_420 : memref<1x128x128xf32, #tpu.memory_space<vmem>> -> memref<128x128xf32, #tpu.memory_space<vmem>>
      %dma_wait3A_422 = arith.constant 0 : i32
      %dma_wait3A_423 = tpu.memref_slice %arg4[%mul3A_2, %dma_wait3A_422] : memref<819200x128xf32, #tpu.memory_space<hbm>> -> memref<128x128xf32, #tpu.memory_space<hbm>>
      %dma_wait3A_424 = arith.constant 0 : i32
      %dma_wait3A_425 = tpu.memref_slice %arg4[%mul3A_2, %dma_wait3A_424] : memref<819200x128xf32, #tpu.memory_space<hbm>> -> memref<128x128xf32, #tpu.memory_space<hbm>>
      %dma_wait3A_426 = arith.constant 0 : i32
      %dma_wait3A_427 = arith.constant 0 : i32
      %dma_wait3A_428 = tpu.memref_slice %arg6[%dma_wait3A_417, %dma_wait3A_426, %dma_wait3A_427] : memref<4x128x128xf32, #tpu.memory_space<vmem>> -> memref<1x128x128xf32, #tpu.memory_space<vmem>>
      %dma_wait3A_429 = tpu.memref_squeeze %dma_wait3A_428 : memref<1x128x128xf32, #tpu.memory_space<vmem>> -> memref<128x128xf32, #tpu.memory_space<vmem>>
      tpu.wait_dma2 semaphore(%arg14 : memref<!tpu.dma_semaphore, #tpu.memory_space<semaphore_mem>>) src(%dma_wait3A_429 : memref<128x128xf32, #tpu.memory_space<vmem>>) dst(%dma_wait3A_425 : memref<128x128xf32, #tpu.memory_space<hbm>>)
      %add3A_430 = arith.constant 4 : i32
      %add3A_431 = arith.addi %add3A_389, %add3A_430 : i32
      %dma_start3A_432 = arith.constant 3 : i32
      %dma_start3A_433 = arith.constant 0 : i32
      %dma_start3A_434 = arith.constant 0 : i32
      %dma_start3A_435 = tpu.memref_slice %arg6[%dma_start3A_432, %dma_start3A_433, %dma_start3A_434] : memref<4x128x128xf32, #tpu.memory_space<vmem>> -> memref<1x128x128xf32, #tpu.memory_space<vmem>>
      %dma_start3A_436 = tpu.memref_squeeze %dma_start3A_435 : memref<1x128x128xf32, #tpu.memory_space<vmem>> -> memref<128x128xf32, #tpu.memory_space<vmem>>
      %dma_start3A_437 = arith.constant 0 : i32
      %dma_start3A_438 = tpu.memref_slice %arg5[%add3A_431, %dma_start3A_437] : memref<200x128xi32, #tpu.memory_space<vmem>> -> memref<1x128xi32, #tpu.memory_space<vmem>>
      %dma_start3A_439 = tpu.memref_squeeze %dma_start3A_438 : memref<1x128xi32, #tpu.memory_space<vmem>> -> memref<128xi32, #tpu.memory_space<vmem>>
      %dma_start3A_440 = arith.constant 0 : i32
      %dma_start3A_441 = arith.constant 0 : i32
      %dma_start3A_442 = tpu.memref_slice %arg3[%dma_start3A_440, %dma_start3A_441] : memref<100001x128xf32, #tpu.memory_space<hbm>> -> memref<100001x128xf32, #tpu.memory_space<hbm>>
      tpu.enqueue_indirect_dma source(%dma_start3A_442 : memref<100001x128xf32, #tpu.memory_space<hbm>>) target(%dma_start3A_436 : memref<128x128xf32, #tpu.memory_space<vmem>>) offsets(%dma_start3A_439 : memref<128xi32, #tpu.memory_space<vmem>>) semaphore(%arg10 : memref<!tpu.dma_semaphore, #tpu.memory_space<semaphore_mem>>)
    }
    %scan3A_54 = arith.constant 49 : i32
    %dma_wait3A = arith.constant 196 : i32
    %dma_wait3A_55 = arith.constant 0 : i32
    %dma_wait3A_56 = arith.constant 0 : i32
    %dma_wait3A_57 = arith.constant 0 : i32
    %dma_wait3A_58 = tpu.memref_slice %arg6[%dma_wait3A_55, %dma_wait3A_56, %dma_wait3A_57] : memref<4x128x128xf32, #tpu.memory_space<vmem>> -> memref<1x128x128xf32, #tpu.memory_space<vmem>>
    %dma_wait3A_59 = tpu.memref_squeeze %dma_wait3A_58 : memref<1x128x128xf32, #tpu.memory_space<vmem>> -> memref<128x128xf32, #tpu.memory_space<vmem>>
    %dma_wait3A_60 = arith.constant 0 : i32
    %dma_wait3A_61 = tpu.memref_slice %arg5[%dma_wait3A, %dma_wait3A_60] : memref<200x128xi32, #tpu.memory_space<vmem>> -> memref<1x128xi32, #tpu.memory_space<vmem>>
    %dma_wait3A_62 = tpu.memref_squeeze %dma_wait3A_61 : memref<1x128xi32, #tpu.memory_space<vmem>> -> memref<128xi32, #tpu.memory_space<vmem>>
    %dma_wait3A_63 = arith.constant 0 : i32
    %dma_wait3A_64 = arith.constant 0 : i32
    %dma_wait3A_65 = tpu.memref_slice %arg3[%dma_wait3A_63, %dma_wait3A_64] : memref<100001x128xf32, #tpu.memory_space<hbm>> -> memref<100001x128xf32, #tpu.memory_space<hbm>>
    tpu.wait_indirect_dma semaphore(%arg7 : memref<!tpu.dma_semaphore, #tpu.memory_space<semaphore_mem>>) src(%dma_wait3A_65 : memref<100001x128xf32, #tpu.memory_space<hbm>>) dst(%dma_wait3A_59 : memref<128x128xf32, #tpu.memory_space<vmem>>)
    %add3A_66 = arith.constant 25088 : i32
    %add3A_67 = arith.addi %mul3A_2, %add3A_66 : i32
    %dma_start3A_68 = arith.constant 0 : i32
    %dma_start3A_69 = arith.constant 0 : i32
    %dma_start3A_70 = arith.constant 0 : i32
    %dma_start3A_71 = tpu.memref_slice %arg6[%dma_start3A_68, %dma_start3A_69, %dma_start3A_70] : memref<4x128x128xf32, #tpu.memory_space<vmem>> -> memref<1x128x128xf32, #tpu.memory_space<vmem>>
    %dma_start3A_72 = tpu.memref_squeeze %dma_start3A_71 : memref<1x128x128xf32, #tpu.memory_space<vmem>> -> memref<128x128xf32, #tpu.memory_space<vmem>>
    %dma_start3A_73 = arith.constant 0 : i32
    %dma_start3A_74 = tpu.memref_slice %arg4[%add3A_67, %dma_start3A_73] : memref<819200x128xf32, #tpu.memory_space<hbm>> -> memref<128x128xf32, #tpu.memory_space<hbm>>
    %dma_start3A_75 = arith.constant 0 : i32
    %dma_start3A_76 = tpu.memref_slice %arg4[%add3A_67, %dma_start3A_75] : memref<819200x128xf32, #tpu.memory_space<hbm>> -> memref<128x128xf32, #tpu.memory_space<hbm>>
    %dma_start3A_77 = arith.constant 0 : i32
    %dma_start3A_78 = arith.constant 0 : i32
    %dma_start3A_79 = tpu.memref_slice %arg6[%dma_start3A_68, %dma_start3A_77, %dma_start3A_78] : memref<4x128x128xf32, #tpu.memory_space<vmem>> -> memref<1x128x128xf32, #tpu.memory_space<vmem>>
    %dma_start3A_80 = tpu.memref_squeeze %dma_start3A_79 : memref<1x128x128xf32, #tpu.memory_space<vmem>> -> memref<128x128xf32, #tpu.memory_space<vmem>>
    tpu.enqueue_dma source(%dma_start3A_80 : memref<128x128xf32, #tpu.memory_space<vmem>>) target(%dma_start3A_76 : memref<128x128xf32, #tpu.memory_space<hbm>>) target_semaphore(%arg11 : memref<!tpu.dma_semaphore, #tpu.memory_space<semaphore_mem>>)
    %dma_wait3A_81 = arith.constant 197 : i32
    %dma_wait3A_82 = arith.constant 1 : i32
    %dma_wait3A_83 = arith.constant 0 : i32
    %dma_wait3A_84 = arith.constant 0 : i32
    %dma_wait3A_85 = tpu.memref_slice %arg6[%dma_wait3A_82, %dma_wait3A_83, %dma_wait3A_84] : memref<4x128x128xf32, #tpu.memory_space<vmem>> -> memref<1x128x128xf32, #tpu.memory_space<vmem>>
    %dma_wait3A_86 = tpu.memref_squeeze %dma_wait3A_85 : memref<1x128x128xf32, #tpu.memory_space<vmem>> -> memref<128x128xf32, #tpu.memory_space<vmem>>
    %dma_wait3A_87 = arith.constant 0 : i32
    %dma_wait3A_88 = tpu.memref_slice %arg5[%dma_wait3A_81, %dma_wait3A_87] : memref<200x128xi32, #tpu.memory_space<vmem>> -> memref<1x128xi32, #tpu.memory_space<vmem>>
    %dma_wait3A_89 = tpu.memref_squeeze %dma_wait3A_88 : memref<1x128xi32, #tpu.memory_space<vmem>> -> memref<128xi32, #tpu.memory_space<vmem>>
    %dma_wait3A_90 = arith.constant 0 : i32
    %dma_wait3A_91 = arith.constant 0 : i32
    %dma_wait3A_92 = tpu.memref_slice %arg3[%dma_wait3A_90, %dma_wait3A_91] : memref<100001x128xf32, #tpu.memory_space<hbm>> -> memref<100001x128xf32, #tpu.memory_space<hbm>>
    tpu.wait_indirect_dma semaphore(%arg8 : memref<!tpu.dma_semaphore, #tpu.memory_space<semaphore_mem>>) src(%dma_wait3A_92 : memref<100001x128xf32, #tpu.memory_space<hbm>>) dst(%dma_wait3A_86 : memref<128x128xf32, #tpu.memory_space<vmem>>)
    %add3A_93 = arith.constant 25216 : i32
    %add3A_94 = arith.addi %mul3A_2, %add3A_93 : i32
    %dma_start3A_95 = arith.constant 1 : i32
    %dma_start3A_96 = arith.constant 0 : i32
    %dma_start3A_97 = arith.constant 0 : i32
    %dma_start3A_98 = tpu.memref_slice %arg6[%dma_start3A_95, %dma_start3A_96, %dma_start3A_97] : memref<4x128x128xf32, #tpu.memory_space<vmem>> -> memref<1x128x128xf32, #tpu.memory_space<vmem>>
    %dma_start3A_99 = tpu.memref_squeeze %dma_start3A_98 : memref<1x128x128xf32, #tpu.memory_space<vmem>> -> memref<128x128xf32, #tpu.memory_space<vmem>>
    %dma_start3A_100 = arith.constant 0 : i32
    %dma_start3A_101 = tpu.memref_slice %arg4[%add3A_94, %dma_start3A_100] : memref<819200x128xf32, #tpu.memory_space<hbm>> -> memref<128x128xf32, #tpu.memory_space<hbm>>
    %dma_start3A_102 = arith.constant 0 : i32
    %dma_start3A_103 = tpu.memref_slice %arg4[%add3A_94, %dma_start3A_102] : memref<819200x128xf32, #tpu.memory_space<hbm>> -> memref<128x128xf32, #tpu.memory_space<hbm>>
    %dma_start3A_104 = arith.constant 0 : i32
    %dma_start3A_105 = arith.constant 0 : i32
    %dma_start3A_106 = tpu.memref_slice %arg6[%dma_start3A_95, %dma_start3A_104, %dma_start3A_105] : memref<4x128x128xf32, #tpu.memory_space<vmem>> -> memref<1x128x128xf32, #tpu.memory_space<vmem>>
    %dma_start3A_107 = tpu.memref_squeeze %dma_start3A_106 : memref<1x128x128xf32, #tpu.memory_space<vmem>> -> memref<128x128xf32, #tpu.memory_space<vmem>>
    tpu.enqueue_dma source(%dma_start3A_107 : memref<128x128xf32, #tpu.memory_space<vmem>>) target(%dma_start3A_103 : memref<128x128xf32, #tpu.memory_space<hbm>>) target_semaphore(%arg12 : memref<!tpu.dma_semaphore, #tpu.memory_space<semaphore_mem>>)
    %dma_wait3A_108 = arith.constant 198 : i32
    %dma_wait3A_109 = arith.constant 2 : i32
    %dma_wait3A_110 = arith.constant 0 : i32
    %dma_wait3A_111 = arith.constant 0 : i32
    %dma_wait3A_112 = tpu.memref_slice %arg6[%dma_wait3A_109, %dma_wait3A_110, %dma_wait3A_111] : memref<4x128x128xf32, #tpu.memory_space<vmem>> -> memref<1x128x128xf32, #tpu.memory_space<vmem>>
    %dma_wait3A_113 = tpu.memref_squeeze %dma_wait3A_112 : memref<1x128x128xf32, #tpu.memory_space<vmem>> -> memref<128x128xf32, #tpu.memory_space<vmem>>
    %dma_wait3A_114 = arith.constant 0 : i32
    %dma_wait3A_115 = tpu.memref_slice %arg5[%dma_wait3A_108, %dma_wait3A_114] : memref<200x128xi32, #tpu.memory_space<vmem>> -> memref<1x128xi32, #tpu.memory_space<vmem>>
    %dma_wait3A_116 = tpu.memref_squeeze %dma_wait3A_115 : memref<1x128xi32, #tpu.memory_space<vmem>> -> memref<128xi32, #tpu.memory_space<vmem>>
    %dma_wait3A_117 = arith.constant 0 : i32
    %dma_wait3A_118 = arith.constant 0 : i32
    %dma_wait3A_119 = tpu.memref_slice %arg3[%dma_wait3A_117, %dma_wait3A_118] : memref<100001x128xf32, #tpu.memory_space<hbm>> -> memref<100001x128xf32, #tpu.memory_space<hbm>>
    tpu.wait_indirect_dma semaphore(%arg9 : memref<!tpu.dma_semaphore, #tpu.memory_space<semaphore_mem>>) src(%dma_wait3A_119 : memref<100001x128xf32, #tpu.memory_space<hbm>>) dst(%dma_wait3A_113 : memref<128x128xf32, #tpu.memory_space<vmem>>)
    %add3A_120 = arith.constant 25344 : i32
    %add3A_121 = arith.addi %mul3A_2, %add3A_120 : i32
    %dma_start3A_122 = arith.constant 2 : i32
    %dma_start3A_123 = arith.constant 0 : i32
    %dma_start3A_124 = arith.constant 0 : i32
    %dma_start3A_125 = tpu.memref_slice %arg6[%dma_start3A_122, %dma_start3A_123, %dma_start3A_124] : memref<4x128x128xf32, #tpu.memory_space<vmem>> -> memref<1x128x128xf32, #tpu.memory_space<vmem>>
    %dma_start3A_126 = tpu.memref_squeeze %dma_start3A_125 : memref<1x128x128xf32, #tpu.memory_space<vmem>> -> memref<128x128xf32, #tpu.memory_space<vmem>>
    %dma_start3A_127 = arith.constant 0 : i32
    %dma_start3A_128 = tpu.memref_slice %arg4[%add3A_121, %dma_start3A_127] : memref<819200x128xf32, #tpu.memory_space<hbm>> -> memref<128x128xf32, #tpu.memory_space<hbm>>
    %dma_start3A_129 = arith.constant 0 : i32
    %dma_start3A_130 = tpu.memref_slice %arg4[%add3A_121, %dma_start3A_129] : memref<819200x128xf32, #tpu.memory_space<hbm>> -> memref<128x128xf32, #tpu.memory_space<hbm>>
    %dma_start3A_131 = arith.constant 0 : i32
    %dma_start3A_132 = arith.constant 0 : i32
    %dma_start3A_133 = tpu.memref_slice %arg6[%dma_start3A_122, %dma_start3A_131, %dma_start3A_132] : memref<4x128x128xf32, #tpu.memory_space<vmem>> -> memref<1x128x128xf32, #tpu.memory_space<vmem>>
    %dma_start3A_134 = tpu.memref_squeeze %dma_start3A_133 : memref<1x128x128xf32, #tpu.memory_space<vmem>> -> memref<128x128xf32, #tpu.memory_space<vmem>>
    tpu.enqueue_dma source(%dma_start3A_134 : memref<128x128xf32, #tpu.memory_space<vmem>>) target(%dma_start3A_130 : memref<128x128xf32, #tpu.memory_space<hbm>>) target_semaphore(%arg13 : memref<!tpu.dma_semaphore, #tpu.memory_space<semaphore_mem>>)
    %dma_wait3A_135 = arith.constant 199 : i32
    %dma_wait3A_136 = arith.constant 3 : i32
    %dma_wait3A_137 = arith.constant 0 : i32
    %dma_wait3A_138 = arith.constant 0 : i32
    %dma_wait3A_139 = tpu.memref_slice %arg6[%dma_wait3A_136, %dma_wait3A_137, %dma_wait3A_138] : memref<4x128x128xf32, #tpu.memory_space<vmem>> -> memref<1x128x128xf32, #tpu.memory_space<vmem>>
    %dma_wait3A_140 = tpu.memref_squeeze %dma_wait3A_139 : memref<1x128x128xf32, #tpu.memory_space<vmem>> -> memref<128x128xf32, #tpu.memory_space<vmem>>
    %dma_wait3A_141 = arith.constant 0 : i32
    %dma_wait3A_142 = tpu.memref_slice %arg5[%dma_wait3A_135, %dma_wait3A_141] : memref<200x128xi32, #tpu.memory_space<vmem>> -> memref<1x128xi32, #tpu.memory_space<vmem>>
    %dma_wait3A_143 = tpu.memref_squeeze %dma_wait3A_142 : memref<1x128xi32, #tpu.memory_space<vmem>> -> memref<128xi32, #tpu.memory_space<vmem>>
    %dma_wait3A_144 = arith.constant 0 : i32
    %dma_wait3A_145 = arith.constant 0 : i32
    %dma_wait3A_146 = tpu.memref_slice %arg3[%dma_wait3A_144, %dma_wait3A_145] : memref<100001x128xf32, #tpu.memory_space<hbm>> -> memref<100001x128xf32, #tpu.memory_space<hbm>>
    tpu.wait_indirect_dma semaphore(%arg10 : memref<!tpu.dma_semaphore, #tpu.memory_space<semaphore_mem>>) src(%dma_wait3A_146 : memref<100001x128xf32, #tpu.memory_space<hbm>>) dst(%dma_wait3A_140 : memref<128x128xf32, #tpu.memory_space<vmem>>)
    %add3A_147 = arith.constant 25472 : i32
    %add3A_148 = arith.addi %mul3A_2, %add3A_147 : i32
    %dma_start3A_149 = arith.constant 3 : i32
    %dma_start3A_150 = arith.constant 0 : i32
    %dma_start3A_151 = arith.constant 0 : i32
    %dma_start3A_152 = tpu.memref_slice %arg6[%dma_start3A_149, %dma_start3A_150, %dma_start3A_151] : memref<4x128x128xf32, #tpu.memory_space<vmem>> -> memref<1x128x128xf32, #tpu.memory_space<vmem>>
    %dma_start3A_153 = tpu.memref_squeeze %dma_start3A_152 : memref<1x128x128xf32, #tpu.memory_space<vmem>> -> memref<128x128xf32, #tpu.memory_space<vmem>>
    %dma_start3A_154 = arith.constant 0 : i32
    %dma_start3A_155 = tpu.memref_slice %arg4[%add3A_148, %dma_start3A_154] : memref<819200x128xf32, #tpu.memory_space<hbm>> -> memref<128x128xf32, #tpu.memory_space<hbm>>
    %dma_start3A_156 = arith.constant 0 : i32
    %dma_start3A_157 = tpu.memref_slice %arg4[%add3A_148, %dma_start3A_156] : memref<819200x128xf32, #tpu.memory_space<hbm>> -> memref<128x128xf32, #tpu.memory_space<hbm>>
    %dma_start3A_158 = arith.constant 0 : i32
    %dma_start3A_159 = arith.constant 0 : i32
    %dma_start3A_160 = tpu.memref_slice %arg6[%dma_start3A_149, %dma_start3A_158, %dma_start3A_159] : memref<4x128x128xf32, #tpu.memory_space<vmem>> -> memref<1x128x128xf32, #tpu.memory_space<vmem>>
    %dma_start3A_161 = tpu.memref_squeeze %dma_start3A_160 : memref<1x128x128xf32, #tpu.memory_space<vmem>> -> memref<128x128xf32, #tpu.memory_space<vmem>>
    tpu.enqueue_dma source(%dma_start3A_161 : memref<128x128xf32, #tpu.memory_space<vmem>>) target(%dma_start3A_157 : memref<128x128xf32, #tpu.memory_space<hbm>>) target_semaphore(%arg14 : memref<!tpu.dma_semaphore, #tpu.memory_space<semaphore_mem>>)
    %dma_wait3A_162 = arith.constant 0 : i32
    %dma_wait3A_163 = arith.constant 0 : i32
    %dma_wait3A_164 = arith.constant 0 : i32
    %dma_wait3A_165 = tpu.memref_slice %arg6[%dma_wait3A_162, %dma_wait3A_163, %dma_wait3A_164] : memref<4x128x128xf32, #tpu.memory_space<vmem>> -> memref<1x128x128xf32, #tpu.memory_space<vmem>>
    %dma_wait3A_166 = tpu.memref_squeeze %dma_wait3A_165 : memref<1x128x128xf32, #tpu.memory_space<vmem>> -> memref<128x128xf32, #tpu.memory_space<vmem>>
    %dma_wait3A_167 = arith.constant 0 : i32
    %dma_wait3A_168 = tpu.memref_slice %arg4[%mul3A_2, %dma_wait3A_167] : memref<819200x128xf32, #tpu.memory_space<hbm>> -> memref<128x128xf32, #tpu.memory_space<hbm>>
    %dma_wait3A_169 = arith.constant 0 : i32
    %dma_wait3A_170 = tpu.memref_slice %arg4[%mul3A_2, %dma_wait3A_169] : memref<819200x128xf32, #tpu.memory_space<hbm>> -> memref<128x128xf32, #tpu.memory_space<hbm>>
    %dma_wait3A_171 = arith.constant 0 : i32
    %dma_wait3A_172 = arith.constant 0 : i32
    %dma_wait3A_173 = tpu.memref_slice %arg6[%dma_wait3A_162, %dma_wait3A_171, %dma_wait3A_172] : memref<4x128x128xf32, #tpu.memory_space<vmem>> -> memref<1x128x128xf32, #tpu.memory_space<vmem>>
    %dma_wait3A_174 = tpu.memref_squeeze %dma_wait3A_173 : memref<1x128x128xf32, #tpu.memory_space<vmem>> -> memref<128x128xf32, #tpu.memory_space<vmem>>
    tpu.wait_dma2 semaphore(%arg11 : memref<!tpu.dma_semaphore, #tpu.memory_space<semaphore_mem>>) src(%dma_wait3A_174 : memref<128x128xf32, #tpu.memory_space<vmem>>) dst(%dma_wait3A_170 : memref<128x128xf32, #tpu.memory_space<hbm>>)
    %dma_wait3A_175 = arith.constant 1 : i32
    %dma_wait3A_176 = arith.constant 0 : i32
    %dma_wait3A_177 = arith.constant 0 : i32
    %dma_wait3A_178 = tpu.memref_slice %arg6[%dma_wait3A_175, %dma_wait3A_176, %dma_wait3A_177] : memref<4x128x128xf32, #tpu.memory_space<vmem>> -> memref<1x128x128xf32, #tpu.memory_space<vmem>>
    %dma_wait3A_179 = tpu.memref_squeeze %dma_wait3A_178 : memref<1x128x128xf32, #tpu.memory_space<vmem>> -> memref<128x128xf32, #tpu.memory_space<vmem>>
    %dma_wait3A_180 = arith.constant 0 : i32
    %dma_wait3A_181 = tpu.memref_slice %arg4[%mul3A_2, %dma_wait3A_180] : memref<819200x128xf32, #tpu.memory_space<hbm>> -> memref<128x128xf32, #tpu.memory_space<hbm>>
    %dma_wait3A_182 = arith.constant 0 : i32
    %dma_wait3A_183 = tpu.memref_slice %arg4[%mul3A_2, %dma_wait3A_182] : memref<819200x128xf32, #tpu.memory_space<hbm>> -> memref<128x128xf32, #tpu.memory_space<hbm>>
    %dma_wait3A_184 = arith.constant 0 : i32
    %dma_wait3A_185 = arith.constant 0 : i32
    %dma_wait3A_186 = tpu.memref_slice %arg6[%dma_wait3A_175, %dma_wait3A_184, %dma_wait3A_185] : memref<4x128x128xf32, #tpu.memory_space<vmem>> -> memref<1x128x128xf32, #tpu.memory_space<vmem>>
    %dma_wait3A_187 = tpu.memref_squeeze %dma_wait3A_186 : memref<1x128x128xf32, #tpu.memory_space<vmem>> -> memref<128x128xf32, #tpu.memory_space<vmem>>
    tpu.wait_dma2 semaphore(%arg12 : memref<!tpu.dma_semaphore, #tpu.memory_space<semaphore_mem>>) src(%dma_wait3A_187 : memref<128x128xf32, #tpu.memory_space<vmem>>) dst(%dma_wait3A_183 : memref<128x128xf32, #tpu.memory_space<hbm>>)
    %dma_wait3A_188 = arith.constant 2 : i32
    %dma_wait3A_189 = arith.constant 0 : i32
    %dma_wait3A_190 = arith.constant 0 : i32
    %dma_wait3A_191 = tpu.memref_slice %arg6[%dma_wait3A_188, %dma_wait3A_189, %dma_wait3A_190] : memref<4x128x128xf32, #tpu.memory_space<vmem>> -> memref<1x128x128xf32, #tpu.memory_space<vmem>>
    %dma_wait3A_192 = tpu.memref_squeeze %dma_wait3A_191 : memref<1x128x128xf32, #tpu.memory_space<vmem>> -> memref<128x128xf32, #tpu.memory_space<vmem>>
    %dma_wait3A_193 = arith.constant 0 : i32
    %dma_wait3A_194 = tpu.memref_slice %arg4[%mul3A_2, %dma_wait3A_193] : memref<819200x128xf32, #tpu.memory_space<hbm>> -> memref<128x128xf32, #tpu.memory_space<hbm>>
    %dma_wait3A_195 = arith.constant 0 : i32
    %dma_wait3A_196 = tpu.memref_slice %arg4[%mul3A_2, %dma_wait3A_195] : memref<819200x128xf32, #tpu.memory_space<hbm>> -> memref<128x128xf32, #tpu.memory_space<hbm>>
    %dma_wait3A_197 = arith.constant 0 : i32
    %dma_wait3A_198 = arith.constant 0 : i32
    %dma_wait3A_199 = tpu.memref_slice %arg6[%dma_wait3A_188, %dma_wait3A_197, %dma_wait3A_198] : memref<4x128x128xf32, #tpu.memory_space<vmem>> -> memref<1x128x128xf32, #tpu.memory_space<vmem>>
    %dma_wait3A_200 = tpu.memref_squeeze %dma_wait3A_199 : memref<1x128x128xf32, #tpu.memory_space<vmem>> -> memref<128x128xf32, #tpu.memory_space<vmem>>
    tpu.wait_dma2 semaphore(%arg13 : memref<!tpu.dma_semaphore, #tpu.memory_space<semaphore_mem>>) src(%dma_wait3A_200 : memref<128x128xf32, #tpu.memory_space<vmem>>) dst(%dma_wait3A_196 : memref<128x128xf32, #tpu.memory_space<hbm>>)
    %dma_wait3A_201 = arith.constant 3 : i32
    %dma_wait3A_202 = arith.constant 0 : i32
    %dma_wait3A_203 = arith.constant 0 : i32
    %dma_wait3A_204 = tpu.memref_slice %arg6[%dma_wait3A_201, %dma_wait3A_202, %dma_wait3A_203] : memref<4x128x128xf32, #tpu.memory_space<vmem>> -> memref<1x128x128xf32, #tpu.memory_space<vmem>>
    %dma_wait3A_205 = tpu.memref_squeeze %dma_wait3A_204 : memref<1x128x128xf32, #tpu.memory_space<vmem>> -> memref<128x128xf32, #tpu.memory_space<vmem>>
    %dma_wait3A_206 = arith.constant 0 : i32
    %dma_wait3A_207 = tpu.memref_slice %arg4[%mul3A_2, %dma_wait3A_206] : memref<819200x128xf32, #tpu.memory_space<hbm>> -> memref<128x128xf32, #tpu.memory_space<hbm>>
    %dma_wait3A_208 = arith.constant 0 : i32
    %dma_wait3A_209 = tpu.memref_slice %arg4[%mul3A_2, %dma_wait3A_208] : memref<819200x128xf32, #tpu.memory_space<hbm>> -> memref<128x128xf32, #tpu.memory_space<hbm>>
    %dma_wait3A_210 = arith.constant 0 : i32
    %dma_wait3A_211 = arith.constant 0 : i32
    %dma_wait3A_212 = tpu.memref_slice %arg6[%dma_wait3A_201, %dma_wait3A_210, %dma_wait3A_211] : memref<4x128x128xf32, #tpu.memory_space<vmem>> -> memref<1x128x128xf32, #tpu.memory_space<vmem>>
    %dma_wait3A_213 = tpu.memref_squeeze %dma_wait3A_212 : memref<1x128x128xf32, #tpu.memory_space<vmem>> -> memref<128x128xf32, #tpu.memory_space<vmem>>
    tpu.wait_dma2 semaphore(%arg14 : memref<!tpu.dma_semaphore, #tpu.memory_space<semaphore_mem>>) src(%dma_wait3A_213 : memref<128x128xf32, #tpu.memory_space<vmem>>) dst(%dma_wait3A_209 : memref<128x128xf32, #tpu.memory_space<hbm>>)
    return
  }
}

</mosaic_0001>

<sc_bundles>
// kernel: kernel.3.cloned.1.call-start
scs
__scs_entry_jumppad:
0x0: {  	(pc) =	sbr.rel $0x88, $3  }
0x1: {  	(tag) =	ssettag $0x0;
	lr =	simm.s32 $0x1  }
0x2: {  	[smem:$0x3F9F] =	sst lr;
	_ =	strace $0xD0000000  }
0x3: {  	_ = 	snop  }
0x4: {  	_ = 	snop  }
0x5: {  	_ = 	snop  }
0x6: {  	_ = 	snop  }
0x7: {  	_ = 	snop  }
__scs_overlays_trampoline_lowered:
0x8: {  	[smem:$0x3FAE] =	sst s0  }
0x9: {  	[smem:$0x3FAF] =	sst s1  }
0xa: {  	[smem:$0x3FB0] =	sst s2  }
0xb: {  	[smem:$0x3FB1] =	sst s3  }
0xc: {  	[smem:$0x3FB2] =	sst s4  }
0xd: {  	[smem:$0x3FB3] =	sst s5  }
0xe: {  	[smem:$0x3FB4] =	sst s6  }
0xf: {  	[smem:$0x3FB5] =	sst s7  }
0x10: {  	[smem:$0x3FB6] =	sst s8  }
0x11: {  	[smem:$0x3FB7] =	sst s9;
	s0 =	simm.s32 @!p0 $0x0  }
0x12: {  	s1 =	sld [smem:$0x3F9D];
	s0 =	simm.s32 @p0 $0x1  }
0x13: {  	[smem:$0x3FB8] =	sst s0;
	s0 =	simm.s32 @!p1 $0x0  }
0x14: {  	s2 =	sld [smem:$0x3F9C];
	s0 =	simm.s32 @p1 $0x1  }
0x15: {  	[smem:$0x3FB9] =	sst s0;
	s0 =	simm.s32 @!p2 $0x0  }
0x16: {  	s3 =	sld [smem:$0x3FDB];
	s0 =	simm.s32 @p2 $0x1  }
0x17: {  	s4 =	simm.s32 $0x1BF5;
	[smem:$0x3FBB] =	sst s0  }
0x18: {  	s0 =	sld [smem:$0x3F9E];
	_ =	swait.ge [sflag:s4], $0x0  }
0x19: {  	s7 =	sld [smem:$0x3F9F]  }
0x1a: {  	s8 =	sadd.s32 $0xFFFFE003, lr  }
0x1b: {  	s9 =	sadd.s32 $0xFFFFFEF7, lr;
	s5 =	simm.s32 $0xFFFFFFFF;
	p2 =	slt.u32 s8, $0xFFFFF086  }
0x1c: {  	p1 =	slt.u32 s9, $0xF7A;
	s5 =	simm.s32 @!p2 $0x0  }
0x1d: {  	s5 =	simm.s32 @p1 $0x1;
	p0 =	seq.s32 s7, s2  }
0x1e: {  	s7 =	smul.u32 @!p0 $0xF7A, s2;
	p2 =	seq.s32 @!p0 s5, $0x0  }
0x1f: {  	s9 =	smul.u32 $0xF7A, s1;
	s8 =	simm.s32 @!p0 $0x1BF5;
	p2 =	por !p2, p0  }
0x20: {  	[sflag:s8] =	ssyncset.s32 @!p0 $0xFFFFF086;
	s6 =	sadd.s32 @!p0 s3, s7;
	s7 =	simm.s32 @!p0 $0x108  }
0x21: {  	s3 =	sadd.s32 s3, s9;
	s6 =	sadd.s32 @!p0 $0x88, s6;
	s7 =	simm.s32 @p2 $0x1082  }
0x22: {  	[simem:s7], [sflag:s8] =	dma.local @!p0 [hbm:s6], $0xF7A  }
0x23: {  	s9 =	sor.u32 $0xD0000000, s2;
	s6 =	simm.s32 $0x108;
	_ =	swait.ge @!p0 [sflag:s8], $0x0  }
0x24: {  	s3 =	sadd.s32 $0x88, s3;
	s6 =	simm.s32 @!p1 $0x1082;
	[sflag:s4] =	ssyncset.s32 $0xFFFFF086  }
0x25: {  	[simem:s6], [sflag:s4] =	dma.local [hbm:s3], $0xF7A  }
0x26: {  	[smem:$0x3F9F] =	sst s1;
	(tag) =	ssettag s2;
	_ =	strace s9  }
0x27: {  	s1 =	sld [smem:$0x3FAF]  }
0x28: {  	s2 =	sld [smem:$0x3FB0]  }
0x29: {  	s4 =	sld [smem:$0x3FB2]  }
0x2a: {  	p0 =	seq.s32 s5, $0x0;
	s5 =	sld [smem:$0x3FB3]  }
0x2b: {  	s6 =	sld [smem:$0x3FB4]  }
0x2c: {  	s7 =	sld [smem:$0x3FB5]  }
0x2d: {  	s3 =	simm.s32 $0x108;
	s8 =	sld [smem:$0x3FB6]  }
0x2e: {  	s3 =	simm.s32 @!p0 $0x1082;
	s9 =	sld [smem:$0x3FB7]  }
0x2f: {  	lr =	sadd.s32 s0, s3;
	s0 =	sld [smem:$0x3FAE]  }
0x30: {  	s3 =	sld [smem:$0x3FB1]  }
0x31: {  	[smem:$0x3FBA] =	sst s10  }
0x32: {  	s10 =	sld [smem:$0x3FB8];
	_ =	sdelay $0x3  }
0x33: {  	p0 =	seq.s32 s10, $0x1;
	s10 =	sld [smem:$0x3FBA];
	_ =	sdelay $0x3  }
0x34: {  	[smem:$0x3FBA] =	sst s10  }
0x35: {  	s10 =	sld [smem:$0x3FB9];
	_ =	sdelay $0x3  }
0x36: {  	p1 =	seq.s32 s10, $0x1;
	s10 =	sld [smem:$0x3FBA];
	_ =	sdelay $0x3  }
0x37: {  	[smem:$0x3FBA] =	sst s10  }
0x38: {  	s10 =	sld [smem:$0x3FBB]  }
0x39: {  	_ = 	snop;
	(pc) =	sbr.ind lr, $3  }
0x3a: {  	_ = 	snop  }
0x3b: {  	_ = 	snop  }
0x3c: {  	p2 =	seq.s32 s10, $0x1;
	s10 =	sld [smem:$0x3FBA]  }
0x3d: {  	_ =	shalt  }
0x3e: {  	_ =	shalt  }
0x3f: {  	_ =	shalt  }
0x40: {  	_ =	shalt  }
0x41: {  	_ =	shalt  }
0x42: {  	_ =	shalt  }
0x43: {  	_ =	shalt  }
0x44: {  	_ =	shalt  }
0x45: {  	_ =	shalt  }
0x46: {  	_ =	shalt  }
0x47: {  	_ =	shalt  }
0x48: {  	_ =	shalt  }
0x49: {  	_ =	shalt  }
0x4a: {  	_ =	shalt  }
0x4b: {  	_ =	shalt  }
0x4c: {  	_ =	shalt  }
0x4d: {  	_ =	shalt  }
0x4e: {  	_ =	shalt  }
0x4f: {  	_ =	shalt  }
0x50: {  	_ =	shalt  }
0x51: {  	_ =	shalt  }
0x52: {  	_ =	shalt  }
0x53: {  	_ =	shalt  }
0x54: {  	_ =	shalt  }
0x55: {  	_ =	shalt  }
0x56: {  	_ =	shalt  }
0x57: {  	_ =	shalt  }
0x58: {  	_ =	shalt  }
0x59: {  	_ =	shalt  }
0x5a: {  	_ =	shalt  }
0x5b: {  	_ =	shalt  }
0x5c: {  	_ =	shalt  }
0x5d: {  	_ =	shalt  }
0x5e: {  	_ =	shalt  }
0x5f: {  	_ =	shalt  }
0x60: {  	_ =	shalt  }
0x61: {  	_ =	shalt  }
0x62: {  	_ =	shalt  }
0x63: {  	_ =	shalt  }
0x64: {  	_ =	shalt  }
0x65: {  	_ =	shalt  }
0x66: {  	_ =	shalt  }
0x67: {  	_ =	shalt  }
0x68: {  	_ =	shalt  }
0x69: {  	_ =	shalt  }
0x6a: {  	_ =	shalt  }
0x6b: {  	_ =	shalt  }
0x6c: {  	_ =	shalt  }
0x6d: {  	_ =	shalt  }
0x6e: {  	_ =	shalt  }
0x6f: {  	_ =	shalt  }
0x70: {  	_ =	shalt  }
0x71: {  	_ =	shalt  }
0x72: {  	_ =	shalt  }
0x73: {  	_ =	shalt  }
0x74: {  	_ =	shalt  }
0x75: {  	_ =	shalt  }
0x76: {  	_ =	shalt  }
0x77: {  	_ =	shalt  }
0x78: {  	_ =	shalt  }
0x79: {  	_ =	shalt  }
0x7a: {  	_ =	shalt  }
0x7b: {  	_ =	shalt  }
0x7c: {  	_ =	shalt  }
0x7d: {  	_ =	shalt  }
0x7e: {  	_ =	shalt  }
0x7f: {  	_ =	shalt  }
0x80: {  	_ =	shalt  }
0x81: {  	_ =	shalt  }
0x82: {  	_ =	shalt  }
0x83: {  	_ =	shalt  }
0x84: {  	_ =	shalt  }
0x85: {  	_ =	shalt  }
0x86: {  	_ =	shalt  }
0x87: {  	_ =	shalt  }
.Lfunc_end0:
.L_simem_size_0:
called_computation_lowered:
.L_overlay_start_0:
0x88: {  	s2 =	sld [smem:$0x3FD9]  }
0x89: {  	s3 =	sld [smem:$0x3FFE];
	_ =	sdelay $0x1  }
0x8a: {  	s1 =	srdreg.scid  }
0x8b: {  	s0 =	sand.u32 $0x1, s1  }
0x8c: {  	s17 =	sshll.u32 s0, $0xA;
	s2 =	sadd.s32 s3, s2  }
0x8d: {  	s2 =	sadd.s32 s2, s17  }
0x8e: {  	[smem:$0x3FC6] =	sst s2  }
0x8f: {  	_ = 	snop  }
0x90: {  	s2 =	sld [smem:$0x3FC8]  }
0x91: {  	s18 =	sld [smem:$0x3FD0];
	(tm) =	ssettm $0x1  }
0x92: {  	s4 =	sld [smem:$0x3FFB];
	_ =	sdelay $0x3  }
0x93: {  	_ =	strace s4  }
0x94: {  	s4 =	sld [smem:$0x3FFC];
	_ =	sdelay $0x3  }
0x95: {  	_ =	strace s4  }
0x96: {  	s4 =	sld [smem:$0x3FFD];
	_ =	sdelay $0x3  }
0x97: {  	_ =	strace s4  }
0x98: {  	_ =	strace $0x8FFFFFFF  }
0x99: {  	s19 =	sld [smem:$0x3FDB];
	_ =	sdelay $0x1  }
0x9a: {  	s5 =	simm.s32 $_scs_section_size  }
0x9b: {  	s6 =	simm.s32 $_size__tile_overlayer_lowered;
	s7 =	simm.s32 $_tile_overlayer_lowered  }
0x9c: {  	s22 =	simm.s32 $0x1BFF;
	s21 =	sshll.u32 s7, $0x1;
	s4 =	sadd.s32 s5, s19  }
0x9d: {  	s8 =	simm.s32 $0x0;
	s20 =	sshll.u32 s6, $0x1;
	s6 =	sadd.s32 s21, s4  }
0x9e: {  	[timem:s8], [sflag:s22] =	dma.local [hbm:s6], s20  }
0x9f: {  	_ =	swait.ge [sflag:s22], s20  }
0xa0: {  	s5 =	ssub.s32 $0x0, s20;
	[sflag:s22] =	ssyncset.done $0x0  }
0xa1: {  	[sflag:s22] =	ssyncadd.s32 s5;
	_ =	sdelay $0x1  }
0xa2: {  	s23 =	simm.s32 $0x1B8B  }
0xa3: {  	_ =	swait.ge [sflag:s23], $0x1  }
0xa4: {  	[sflag:s23] =	ssyncset.done $0x0  }
0xa5: {  	s25 =	simm.s32 $0x1B8E;
	s24 =	sld [smem:$0x3FFE];
	[sflag:s23] =	ssyncadd.s32 $0xFFFFFFFF  }
0xa6: {  	s26 =	simm.s32 $execute0_lowered;
	[smem:$0x3FD2] =	sst s25  }
0xa7: {  	s6 =	sshll.u32 s26, $0x1;
	_ =	strace $0x80000046;
	[dreg:$0x1] =	wrdreg $0xFFFFFFFF  }
0xa8: {  	s28 =	simm.s32 $_size_execute0_lowered;
	s4 =	sadd.s32 s4, s6;
	[dreg:$0x0] =	wrdreg $0x0  }
0xa9: {  	s6 =	sshll.u32 s28, $0x1;
	[dreg:$0x2] =	wrdreg s4  }
0xaa: {  	[dreg:$0x3] =	wrdreg s6  }
0xab: {  	[dreg:$0x4] =	wrdreg $0xC0  }
0xac: {  	_ =	task [dreg:s8], $0x5FFFF  }
0xad: {  	[dreg:$0x1] =	wrdreg $0xFFFFFFFF  }
0xae: {  	[dreg:$0x0] =	wrdreg $0x60  }
0xaf: {  	[dreg:$0x2] =	wrdreg s24  }
0xb0: {  	[dreg:$0x3] =	wrdreg s2  }
0xb1: {  	[dreg:$0x4] =	wrdreg s18  }
0xb2: {  	[dreg:$0x5] =	wrdreg $0x9  }
0xb3: {  	_ =	task.clear_ibuf [dreg:s8], $0x6FFFF;
	_ =	strace $0x90000046  }
0xb4: {  	s29 =	simm.s32 $0x9;
	_ =	strace $0x80000048  }
0xb5: {  	_ =	swait.ge [sflag:s29], $0x1  }
0xb6: {  	[sflag:s29] =	ssyncadd.s32 $0xFFFFFFFF  }
0xb7: {  	_ =	strace $0x90000048  }
0xb8: {  	_ =	sfence  }
0xb9: {  	s30 =	sld [smem:$0x0];
	_ =	sdelay $0x2  }
0xba: {  	s31 =	sshll.u32 s1, $0xD;
	s1 =	sshrl.u32 s1, $0x2  }
0xbb: {  	s3 =	sand.u32 $0x4000, s31;
	s1 =	sadd.s32 s1, s30  }
0xbc: {  	s0 =	sor.u32 s3, s0;
	s1 =	sshll.u32 s1, $0x11  }
0xbd: {  	s0 =	sor.u32 s1, s0  }
0xbe: {  	s0 =	sadd.s32 $0x8F2B, s0  }
0xbf: {  	[sflag:s0] =	ssyncadd.remote.s32 $0x1  }
0xc0: {  	_ =	sfence.sel $0xFFFF  }
0xc1: {  	[dreg:$0x0] =	wrdreg $0xFFFFFFFF;
	(pc) =	sbr.abs _section_cstart, $3  }
0xc2: {  	[dreg:$0x1] =	wrdreg $0xFFFFFFFF  }
0xc3: {  	_ =	task.clear_ibuf [dreg:s8], $0x2FFFF;
	_ =	strace $0x9FFFFFFF  }
0xc4: {  	(tm) =	ssettm $0x7FFFFFFF  }
0xc5: {  	_ =	shalt  }
tec
execute0_lowered:
.L_overlay_start_1:
0x0: {  	(tag) =	ssettag $0x1  }
0x1: {  	s4 =	rddreg [dreg:$0x0]  }
0x2: {  	s1 =	srdreg.scid;
	s2 =	rddreg [dreg:$0x1]  }
0x3: {  	s0 =	stileid.u32;
	s11 =	rddreg [dreg:$0x2];
	s14 =	simm.s32 $0x6400  }
0x4: {  	s15 =	simm.s32 $0xA400;
	s17 =	simm.s32 $0xE400;
	s18 =	simm.s32 $0x180  }
0x5: {  	s19 =	simm.s32 $0x12400;
	s20 =	simm.s32 $0x1;
	s21 =	simm.s32 $0x5  }
0x6: {  	s22 =	simm.s32 $0x2;
	s23 =	simm.s32 $0x6;
	s24 =	simm.s32 $0x3  }
0x7: {  	s25 =	simm.s32 $0x7;
	s26 =	simm.s32 $0x4;
	s8 =	smul.u32 $0x640000, s0  }
0x8: {  	s1 =	sand.u32 $0x1, s1;
	s3 =	sshll.u32 s0, $0x1;
	s13 =	smul.u32 $0xC8000, s0  }
0x9: {  	s28 =	simm.s32 $0x8;
	s5 =	sor.u32 s1, s3;
	s12 =	smul.u32 $0x320000, s1  }
0xa: {  	s3 =	simm.s32 $0x0;
	s30 =	ssub.s32 $0x2, s1;
	s1 =	smul.u32 $0x64000, s1  }
0xb: {  	s29 =	simm.s32 $0x0;
	s6 =	smul.u32 $0x6400, s5;
	[smem:$0x7FF] =	sst s3  }
0xc: {  	s5 =	smul.u32 $0x320000, s5;
	s7 =	sshrl.u32 s30, $0x1;
	_ =	strace $0x80000047  }
0xd: {  	s9 =	ssub.s32 s30, s7;
	s12 =	sadd.s32 s12, s8;
	s6 =	sshrl.u32 s6, $0x3  }
0xe: {  	s5 =	sshrl.u32 s5, $0x3;
	s31 =	sshrl.u32 s12, $0x3;
	s9 =	smax.u32 s9, $0x1  }
0xf: {  	s12 =	simm.s32 $0x9;
	s4 =	sadd.s32 s6, s4;
	s10 =	sadd.s32 s11, s5  }
0x10: {  	s5 =	sadd.s32 $0x62000, s10;
	s6 =	sadd.s32 $0x62800, s10;
	s7 =	sadd.s32 $0x63000, s10  }
0x11: {  	s8 =	sadd.s32 $0x63800, s10;
	s10 =	sadd.s32 s31, s11;
	s11 =	sadd.s32 s13, s11  }
0x12: {  	s4 =	sadd.s32 $0x400, s4;
	s13 =	simm.s32 $0x80;
	s11 =	sadd.s32 s1, s11  }
.LBB2_1:
0x13: {  	[tilespmem:s3], [sflag:$0x9] =	stream.linear.gather [hbm4b:s4+s3], $0x6400, $0x38;
	[tilespmem:$0x16400] =	vst v63  }
0x14: {  	_ =	swait.ge [sflag:s12], $0x6400  }
0x15: {  	[sflag:s12] =	ssyncset.done $0x0  }
0x16: {  	[sflag:s12] =	ssyncadd.s32 $0xFFFF9C00  }
0x17: {  	[tilespmem:s14], [sflag:$0x1] =	stream.indirect.gather [hbm4b:s2+s13], $0x80, s3, s13, $0xb8;
	[tilespmem:$0x16400] =	vst v63  }
0x18: {  	_ = 	snop  }
0x19: {  	[tilespmem:s15], [sflag:$0x2] =	stream.indirect.gather [hbm4b:s2+s13], $0x80, s13, s13, $0xb8;
	[tilespmem:$0x16400] =	vst v63  }
0x1a: {  	s0 =	simm.s32 $0x100  }
0x1b: {  	[tilespmem:s17], [sflag:$0x3] =	stream.indirect.gather [hbm4b:s2+s13], $0x80, s0, s13, $0xb8;
	[tilespmem:$0x16400] =	vst v63  }
0x1c: {  	_ = 	snop  }
0x1d: {  	[tilespmem:s19], [sflag:$0x4] =	stream.indirect.gather [hbm4b:s2+s13], $0x80, s18, s13, $0xb8;
	[tilespmem:$0x16400] =	vst v63  }
0x1e: {  	_ =	swait.ge [sflag:s20], $0x4000  }
0x1f: {  	[sflag:s20] =	ssyncset.done $0x0  }
0x20: {  	s1 =	sadd.s32 $0x0, s10;
	[sflag:s20] =	ssyncadd.s32 $0xFFFFC000  }
0x21: {  	[hbm4b:s1+s3] =	stream.linear.scatter [tilespmem:s14], [sflag:$0x5], $0x4000, $0x38;
	[tilespmem:$0x16400] =	vst v63  }
0x22: {  	_ =	swait.ge [sflag:s21], $0x4000  }
0x23: {  	[sflag:s21] =	ssyncset.done $0x0  }
0x24: {  	s0 =	simm.s32 $0x200;
	[sflag:s21] =	ssyncadd.s32 $0xFFFFC000  }
0x25: {  	[tilespmem:s14], [sflag:$0x1] =	stream.indirect.gather [hbm4b:s2+s13], $0x80, s0, s13, $0xb8;
	[tilespmem:$0x16400] =	vst v63  }
0x26: {  	_ =	swait.ge [sflag:s22], $0x4000  }
0x27: {  	s16 =	sadd.s32 $0x0, s11;
	[sflag:s22] =	ssyncset.done $0x0  }
0x28: {  	s30 =	sadd.s32 $0x800, s16;
	[sflag:s22] =	ssyncadd.s32 $0xFFFFC000  }
0x29: {  	[hbm4b:s30+s3] =	stream.linear.scatter [tilespmem:s15], [sflag:$0x6], $0x4000, $0x38;
	[tilespmem:$0x16400] =	vst v63  }
0x2a: {  	_ =	swait.ge [sflag:s23], $0x4000  }
0x2b: {  	[sflag:s23] =	ssyncset.done $0x0  }
0x2c: {  	s30 =	simm.s32 $0x280;
	[sflag:s23] =	ssyncadd.s32 $0xFFFFC000  }
0x2d: {  	[tilespmem:s15], [sflag:$0x2] =	stream.indirect.gather [hbm4b:s2+s13], $0x80, s30, s13, $0xb8;
	[tilespmem:$0x16400] =	vst v63  }
0x2e: {  	_ =	swait.ge [sflag:s24], $0x4000  }
0x2f: {  	[sflag:s24] =	ssyncset.done $0x0  }
0x30: {  	s30 =	sadd.s32 $0x1000, s16;
	[sflag:s24] =	ssyncadd.s32 $0xFFFFC000  }
0x31: {  	[hbm4b:s30+s3] =	stream.linear.scatter [tilespmem:s17], [sflag:$0x7], $0x4000, $0x38;
	[tilespmem:$0x16400] =	vst v63  }
0x32: {  	_ =	swait.ge [sflag:s25], $0x4000  }
0x33: {  	[sflag:s25] =	ssyncset.done $0x0  }
0x34: {  	s30 =	simm.s32 $0x300;
	[sflag:s25] =	ssyncadd.s32 $0xFFFFC000  }
0x35: {  	[tilespmem:s17], [sflag:$0x3] =	stream.indirect.gather [hbm4b:s2+s13], $0x80, s30, s13, $0xb8;
	[tilespmem:$0x16400] =	vst v63  }
0x36: {  	_ =	swait.ge [sflag:s26], $0x4000  }
0x37: {  	[sflag:s26] =	ssyncset.done $0x0  }
0x38: {  	s1 =	sadd.s32 $0x1800, s16;
	[sflag:s26] =	ssyncadd.s32 $0xFFFFC000  }
0x39: {  	[hbm4b:s1+s3] =	stream.linear.scatter [tilespmem:s19], [sflag:$0x8], $0x4000, $0x38;
	[tilespmem:$0x16400] =	vst v63  }
0x3a: {  	_ =	swait.ge [sflag:s28], $0x4000  }
0x3b: {  	s31 =	simm.s32 $0x2000;
	[sflag:s28] =	ssyncset.done $0x0  }
0x3c: {  	s30 =	simm.s32 $0x380;
	s1 =	simm.s32 $0x580;
	[sflag:s28] =	ssyncadd.s32 $0xFFFFC000  }
.LBB2_2:
0x3d: {  	[tilespmem:s19], [sflag:$0x4] =	stream.indirect.gather [hbm4b:s2+s13], $0x80, s30, s13, $0xb8;
	[tilespmem:$0x16400] =	vst v63  }
0x3e: {  	s0 =	smov.u32 s31;
	s30 =	smov.u32 s1  }
0x3f: {  	p0 =	sne.s32 s31, $0x60000;
	s31 =	sadd.s32 $0x2000, s31;
	_ =	swait.ge [sflag:s20], $0x4000  }
0x40: {  	[sflag:s20] =	ssyncset.done $0x0  }
0x41: {  	s16 =	sadd.s32 s0, s10;
	[sflag:s20] =	ssyncadd.s32 $0xFFFFC000  }
0x42: {  	[hbm4b:s16+s3] =	stream.linear.scatter [tilespmem:s14], [sflag:$0x5], $0x4000, $0x38;
	[tilespmem:$0x16400] =	vst v63  }
0x43: {  	_ =	swait.ge [sflag:s21], $0x4000  }
0x44: {  	[sflag:s21] =	ssyncset.done $0x0  }
0x45: {  	s16 =	sadd.s32 $0xFFFFFE80, s1;
	[sflag:s21] =	ssyncadd.s32 $0xFFFFC000  }
0x46: {  	[tilespmem:s14], [sflag:$0x1] =	stream.indirect.gather [hbm4b:s2+s13], $0x80, s16, s13, $0xb8;
	[tilespmem:$0x16400] =	vst v63  }
0x47: {  	_ =	swait.ge [sflag:s22], $0x4000  }
0x48: {  	s0 =	sadd.s32 s0, s11;
	[sflag:s22] =	ssyncset.done $0x0  }
0x49: {  	s16 =	sadd.s32 $0x800, s0;
	[sflag:s22] =	ssyncadd.s32 $0xFFFFC000  }
0x4a: {  	[hbm4b:s16+s3] =	stream.linear.scatter [tilespmem:s15], [sflag:$0x6], $0x4000, $0x38;
	[tilespmem:$0x16400] =	vst v63  }
0x4b: {  	_ =	swait.ge [sflag:s23], $0x4000  }
0x4c: {  	[sflag:s23] =	ssyncset.done $0x0  }
0x4d: {  	s16 =	sadd.s32 $0xFFFFFF00, s1;
	[sflag:s23] =	ssyncadd.s32 $0xFFFFC000  }
0x4e: {  	[tilespmem:s15], [sflag:$0x2] =	stream.indirect.gather [hbm4b:s2+s13], $0x80, s16, s13, $0xb8;
	[tilespmem:$0x16400] =	vst v63  }
0x4f: {  	_ =	swait.ge [sflag:s24], $0x4000  }
0x50: {  	[sflag:s24] =	ssyncset.done $0x0  }
0x51: {  	s16 =	sadd.s32 $0x1000, s0;
	[sflag:s24] =	ssyncadd.s32 $0xFFFFC000  }
0x52: {  	[hbm4b:s16+s3] =	stream.linear.scatter [tilespmem:s17], [sflag:$0x7], $0x4000, $0x38;
	[tilespmem:$0x16400] =	vst v63  }
0x53: {  	_ =	swait.ge [sflag:s25], $0x4000  }
0x54: {  	[sflag:s25] =	ssyncset.done $0x0  }
0x55: {  	s16 =	sadd.s32 $0xFFFFFF80, s1;
	[sflag:s25] =	ssyncadd.s32 $0xFFFFC000  }
0x56: {  	[tilespmem:s17], [sflag:$0x3] =	stream.indirect.gather [hbm4b:s2+s13], $0x80, s16, s13, $0xb8;
	[tilespmem:$0x16400] =	vst v63  }
0x57: {  	_ =	swait.ge [sflag:s26], $0x4000  }
0x58: {  	[sflag:s26] =	ssyncset.done $0x0  }
.Ltmp0:
0x59: {  	s0 =	sadd.s32 $0x1800, s0;
	[sflag:s26] =	ssyncadd.s32 $0xFFFFC000;
	(pc) =	sbr.rel @p0 .LBB2_2-.Ltmp0, $4  }
0x5a: {  	[hbm4b:s0+s3] =	stream.linear.scatter [tilespmem:s19], [sflag:$0x8], $0x4000, $0x38;
	[tilespmem:$0x16400] =	vst v63  }
0x5b: {  	_ =	swait.ge [sflag:s28], $0x4000  }
0x5c: {  	[sflag:s28] =	ssyncset.done $0x0  }
0x5d: {  	s1 =	sadd.s32 $0x200, s1;
	[sflag:s28] =	ssyncadd.s32 $0xFFFFC000  }
0x5e: {  	[tilespmem:s19], [sflag:$0x4] =	stream.indirect.gather [hbm4b:s2+s13], $0x80, s30, s13, $0xb8;
	[tilespmem:$0x16400] =	vst v63  }
0x5f: {  	_ =	swait.ge [sflag:s20], $0x4000  }
0x60: {  	[sflag:s20] =	ssyncset.done $0x0  }
0x61: {  	[sflag:s20] =	ssyncadd.s32 $0xFFFFC000  }
0x62: {  	[hbm4b:s5+s3] =	stream.linear.scatter [tilespmem:s14], [sflag:$0x5], $0x4000, $0x38;
	[tilespmem:$0x16400] =	vst v63  }
0x63: {  	_ =	swait.ge [sflag:s22], $0x4000  }
0x64: {  	[sflag:s22] =	ssyncset.done $0x0  }
0x65: {  	[sflag:s22] =	ssyncadd.s32 $0xFFFFC000  }
0x66: {  	[hbm4b:s6+s3] =	stream.linear.scatter [tilespmem:s15], [sflag:$0x6], $0x4000, $0x38;
	[tilespmem:$0x16400] =	vst v63  }
0x67: {  	_ =	swait.ge [sflag:s24], $0x4000  }
0x68: {  	[sflag:s24] =	ssyncset.done $0x0  }
0x69: {  	[sflag:s24] =	ssyncadd.s32 $0xFFFFC000  }
0x6a: {  	[hbm4b:s7+s3] =	stream.linear.scatter [tilespmem:s17], [sflag:$0x7], $0x4000, $0x38;
	[tilespmem:$0x16400] =	vst v63  }
0x6b: {  	_ =	swait.ge [sflag:s26], $0x4000  }
0x6c: {  	[sflag:s26] =	ssyncset.done $0x0  }
0x6d: {  	[sflag:s26] =	ssyncadd.s32 $0xFFFFC000  }
0x6e: {  	[hbm4b:s8+s3] =	stream.linear.scatter [tilespmem:s19], [sflag:$0x8], $0x4000, $0x38;
	[tilespmem:$0x16400] =	vst v63  }
0x6f: {  	_ =	swait.ge [sflag:s21], $0x4000  }
0x70: {  	[sflag:s21] =	ssyncset.done $0x0  }
0x71: {  	[sflag:s21] =	ssyncadd.s32 $0xFFFFC000  }
0x72: {  	_ =	swait.ge [sflag:s23], $0x4000  }
0x73: {  	[sflag:s23] =	ssyncset.done $0x0  }
0x74: {  	s29 =	sadd.s32 $0x1, s29;
	[sflag:s23] =	ssyncadd.s32 $0xFFFFC000  }
0x75: {  	p0 =	sne.s32 s29, s9;
	_ =	swait.ge [sflag:s25], $0x4000  }
.Ltmp1:
0x76: {  	[sflag:s25] =	ssyncset.done $0x0;
	(pc) =	sbr.rel @p0 .LBB2_1-.Ltmp1, $4  }
0x77: {  	[sflag:s25] =	ssyncadd.s32 $0xFFFFC000  }
0x78: {  	_ =	swait.ge [sflag:s28], $0x4000  }
0x79: {  	[sflag:s28] =	ssyncset.done $0x0  }
0x7a: {  	[sflag:s28] =	ssyncadd.s32 $0xFFFFC000  }
0x7b: {  	_ =	sfence.sel $0x180000  }
0x7c: {  	[bflag:$0x0] =	sbarrier.arrive $0xFFFF  }
0x7d: {  	_ =	strace $0x90000047  }
0x7e: {  	s0 =	stileid.u32;
	[bflag:$0x2] =	sbarrier.arrive $0xFFFF  }
0x7f: {  	p0 =	sne.s32 s0, $0x0;
	s0 =	rddreg [dreg:$0x3]  }
0x80: {  	s0 =	sadd.s32 @!p0 $0x100000, s0  }
0x81: {  	[sflag:s0] =	ssyncadd.tile.s32 @!p0 $0x1;
	_ =	shalt  }
.Lfunc_end2:
_tile_overlayer_lowered:
.L_overlay_start_2:
0x82: {  	(tag) =	ssettag $0x2  }
0x83: {  	s0 =	rddreg [dreg:$0x0];
	s2 =	stileid.u32  }
0x84: {  	s1 =	rddreg [dreg:$0x1];
	p0 =	sne.s32 s2, $0x0  }
0x85: {  	s3 =	rddreg [dreg:$0x2];
	[bflag:$0x3] =	sbarrier.arrive $0xFFFF;
	s2 =	simm.s32 @!p0 $0x1C09  }
0x86: {  	[timem:s3], [sflag:s2] =	dma.local @!p0 [hbm:s0], s1  }
0x87: {  	s0 =	simm.s32 @!p0 $0x9  }
0x88: {  	_ =	swait.ge @!p0 [sflag:s0], s1  }
0x89: {  	s1 =	ssub.s32 @!p0 $0x0, s1;
	[sflag:s0] =	ssyncset.done @!p0 $0x0  }
0x8a: {  	[sflag:s0] =	ssyncadd.s32 @!p0 s1  }
0x8b: {  	[bflag:$0x3] =	sbarrier.arrive $0xFFFF  }
0x8c: {  	_ =	shalt  }

</sc_bundles>
